<compile_context>
chip_gen: v7x
topology: tpu7x:2x2x1
jax: 0.10.2.dev20260603
libtpu: 0.0.44.dev20260713+nightly
codegen_flags: <defaults>
</compile_context>

<pallas_src>
import functools

import jax
import jax.numpy as jnp
from jax import lax
from jax.experimental import pallas as pl
from jax.experimental.pallas import tpu as pltpu
from jax.experimental.pallas import tpu_sc as plsc

N_EDGES = 6400000
N_SEG = 100000
NC, NS = 2, 16
NW = NC * NS
EDGES_PER_TILE = N_EDGES // NW
CW = 2000
NVEC = CW // 16
VUNROLL = 5
N_CHUNKS = EDGES_PER_TILE // CW
TAIL = EDGES_PER_TILE - N_CHUNKS * CW
ACC_PAD = 102400
SLICE = ACC_PAD // NS
MBLK = 400

_mesh = plsc.VectorSubcoreMesh(core_axis_name="c", subcore_axis_name="s")


@functools.partial(
    pl.kernel,
    out_type=jax.ShapeDtypeStruct((NC, ACC_PAD), jnp.float32),
    mesh=_mesh,
    scratch_types=[
        pltpu.VMEM((2, CW), jnp.int32),
        pltpu.VMEM((2, CW), jnp.float32),
        pltpu.VMEM((ACC_PAD,), jnp.float32),
        pltpu.VMEM((NS, MBLK), jnp.float32),
        pltpu.VMEM_SHARED((NS, NS, MBLK), jnp.float32),
        pltpu.SemaphoreType.DMA,
        pltpu.SemaphoreType.DMA,
        pltpu.SemaphoreType.DMA,
    ],
    compiler_params=pltpu.CompilerParams(use_tc_tiling_on_sc=False,
                                         needs_layout_passes=False),
)
def _seg_sum_sc(vals_hbm, ids_hbm, out_hbm, idx_b, val_b, acc, mbuf, spst,
                sem_i, sem_v, sem_m):
    c = lax.axis_index("c")
    s = lax.axis_index("s")
    w = c * NS + s

    iota = lax.iota(jnp.int32, 16)
    stride_iota = iota * NVEC
    z16 = jnp.zeros((16,), jnp.float32)

    def _zb(i, carry):
        acc[pl.ds(i * 16, 16)] = z16
        return carry

    lax.fori_loop(0, ACC_PAD // 16, _zb, 0, unroll=8)

    base = w * EDGES_PER_TILE

    def _stage(ci, b, n=CW):
        e0 = base + ci * CW
        pltpu.async_copy(ids_hbm.at[pl.ds(e0, n)], idx_b.at[b, pl.ds(0, n)],
                         sem_i)
        pltpu.async_copy(vals_hbm.at[pl.ds(e0, n)], val_b.at[b, pl.ds(0, n)],
                         sem_v)

    def _wait_stage(b, n=CW):
        pltpu.make_async_copy(
            ids_hbm.at[pl.ds(0, n)], idx_b.at[b, pl.ds(0, n)], sem_i).wait()
        pltpu.make_async_copy(
            vals_hbm.at[pl.ds(0, n)], val_b.at[b, pl.ds(0, n)], sem_v).wait()

    _stage(0, 0)
    _stage(1, 1)

    def _outer(ci0, carry):
        for b in range(2):
            ci = ci0 * 2 + b
            _wait_stage(b)
            ib = idx_b.at[b]
            vb = val_b.at[b]

            def _vec(vi, carry2):
                for u in range(VUNROLL):
                    idxv = stride_iota + (vi * VUNROLL + u)
                    d = plsc.load_gather(ib, [idxv])
                    x = plsc.load_gather(vb, [idxv])
                    plsc.addupdate_scatter(acc, [d], x)
                return carry2

            lax.fori_loop(0, NVEC // VUNROLL, _vec, 0)

            @pl.when(ci + 2 < N_CHUNKS)
            def _():
                _stage(ci + 2, b)
        return carry

    lax.fori_loop(0, N_CHUNKS // 2, _outer, 0)

    r0 = s * SLICE
    zf = jnp.zeros((16,), jnp.float32)

    def _round(t, carry):
        def _pub(o, cc):
            pltpu.async_copy(
                acc.at[pl.ds(o * SLICE + t * MBLK, MBLK)],
                spst.at[o, s], sem_m)
            return cc

        lax.fori_loop(0, NS, _pub, 0)

        def _pubw(o, cc):
            pltpu.make_async_copy(
                acc.at[pl.ds(0, MBLK)], spst.at[o, s], sem_m).wait()
            return cc

        lax.fori_loop(0, NS, _pubw, 0)
        plsc.subcore_barrier()
        pltpu.sync_copy(spst.at[s], mbuf)

        def _red(v, cc):
            tot = mbuf[0, pl.ds(v * 16, 16)]
            for j in range(1, NS):
                tot = tot + mbuf[j, pl.ds(v * 16, 16)]
            acc[pl.ds(t * MBLK + v * 16, 16)] = tot
            return cc

        lax.fori_loop(0, MBLK // 16, _red, 0, unroll=5)
        plsc.subcore_barrier()
        return carry

    lax.fori_loop(0, SLICE // MBLK, _round, 0)

    pltpu.sync_copy(acc.at[pl.ds(0, SLICE)],
                    out_hbm.at[c, pl.ds(r0, SLICE)])


def _combine_body(p_ref, o_ref):
    o_ref[...] = jnp.sum(p_ref[...], axis=0, keepdims=True)


def kernel(arg0_1, arg1_1):
    vals = arg0_1.reshape(N_EDGES)
    ids = arg1_1.astype(jnp.int32).reshape(N_EDGES)
    partials = _seg_sum_sc(vals, ids)
    summed = pl.pallas_call(
        _combine_body,
        out_shape=jax.ShapeDtypeStruct((1, ACC_PAD), jnp.float32),
    )(partials)
    return (summed[0, :N_SEG].reshape(N_SEG, 1),)

# --- scband reference (transcript-rebuilt; emitter-appended) ---
"""Pipeline reference for scband-repro-4398046511291 (READ-ONLY COPY).

The authoritative reference and input builder live on the scoring server;
editing this copy changes nothing except your own understanding.
"""

import jax, jax.numpy as jnp
import numpy as np

N_EDGES = 6400000
N_SEGMENTS = 100000

def setup_inputs(seed: int = 0) -> dict:
    key = jax.random.key(seed)
    k1, k2 = jax.random.split(key)
    arg0_1 = jax.random.normal(k1, (N_EDGES, 1), dtype=jnp.float32)
    arg1_1 = jnp.sort(jax.random.randint(k2, (N_EDGES,), 0, N_SEGMENTS))
    return {"arg0_1": arg0_1, "arg1_1": arg1_1}

def reference(arg0_1, arg1_1):
    # Faithful translation of the torch Repro:
    #   unsqueeze(seg_ids, 1) -> expand to [N, 1] -> full([N_SEGMENTS, 1], 0) -> scatter_add(dim=0)
    # scatter_add along dim 0 with a [N,1] index adds arg0_1[i, 0] into out[seg_ids[i], 0],
    # which is exactly a row-wise scatter-add into a zero-initialized buffer.
    out = jnp.zeros((N_SEGMENTS, 1), dtype=jnp.float32)
    out = out.at[arg1_1].add(arg0_1)
    return (out,)

if __name__ == "__main__":
    import jax
    _d = setup_inputs()
    print(jax.jit(kernel)(*tuple(_d.values())))

</pallas_src>

<mosaic_0001>
#map = affine_map<(d0, d1) -> (0)>
#map1 = affine_map<(d0, d1) -> (0, 0)>
module attributes {stable_mosaic.version = 14 : i64} {
  func.func @_seg_sum_sc(%arg0: i32, %arg1: i32, %arg2: memref<6400000xf32, #tpu.memory_space<hbm>>, %arg3: memref<6400000xi32, #tpu.memory_space<hbm>>, %arg4: memref<2x102400xf32, #tpu.memory_space<hbm>>, %arg5: memref<2x2000xi32, #tpu.memory_space<vmem>>, %arg6: memref<2x2000xf32, #tpu.memory_space<vmem>>, %arg7: memref<102400xf32, #tpu.memory_space<vmem>>, %arg8: memref<16x400xf32, #tpu.memory_space<vmem>>, %arg9: memref<16x16x400xf32, #tpu.memory_space<vmem_shared>>, %arg10: memref<!tpu.dma_semaphore, #tpu.memory_space<semaphore_mem>>, %arg11: memref<!tpu.dma_semaphore, #tpu.memory_space<semaphore_mem>>, %arg12: memref<!tpu.dma_semaphore, #tpu.memory_space<semaphore_mem>>) attributes {dimension_semantics = [#tpu.dimension_semantics<core_parallel>, #tpu.dimension_semantics<subcore_parallel>], iteration_bounds = array<i64: 2, 16>, scalar_prefetch = 0 : i64, scratch_operands = 8 : i64, tpu.core_type = #tpu.core_type<sc_vector_subcore>, window_params = [{transform_indices = #map}, {transform_indices = #map}, {transform_indices = #map1}]} {
    %mul3A = arith.constant 16 : i32
    %mul3A_0 = arith.muli %arg0, %mul3A : i32
    %add3A = arith.addi %mul3A_0, %arg1 : i32
    %iota3A = tpu.iota {dimensions = array<i32: 0>} : vector<16xi32>
    %mul3A_1 = arith.constant 125 : i32
    %mul3A_2 = vector.broadcast %mul3A_1 : i32 to vector<16xi32>
    %mul3A_3 = arith.muli %iota3A, %mul3A_2 : vector<16xi32>
    %broadcast_in_dim3A = arith.constant 0.000000e+00 : f32
    %broadcast_in_dim3A_4 = vector.broadcast %broadcast_in_dim3A : f32 to vector<16xf32>
    %scan3A = arith.constant 0 : i32
    %scan3A_5 = arith.constant 0 : i32
    %scan3A_6 = arith.constant 6400 : i32
    %scan3A_7 = arith.addi %scan3A_5, %scan3A_6 : i32
    %scan3A_8 = arith.constant 8 : i32
    scf.for %scan3A_67 = %scan3A_5 to %scan3A_7 step %scan3A_8  : i32 {
      %mul3A_68 = arith.constant 16 : i32
      %mul3A_69 = arith.muli %scan3A_67, %mul3A_68 : i32
      %swap3A = arith.index_cast %mul3A_69 : i32 to index
      %swap3A_70 = tpu.vector_load %arg7[%swap3A] {strides = array<i32>} : memref<102400xf32, #tpu.memory_space<vmem>>, vector<16xf32>,
      tpu.vector_store %arg7[%swap3A], %broadcast_in_dim3A_4 {strides = array<i32>} : memref<102400xf32, #tpu.memory_space<vmem>>, vector<16xf32>,
      %scan3A_71 = arith.constant 1 : i32
      %scan3A_72 = arith.addi %scan3A_67, %scan3A_71 : i32
      %mul3A_73 = arith.constant 16 : i32
      %mul3A_74 = arith.muli %scan3A_72, %mul3A_73 : i32
      %swap3A_75 = arith.index_cast %mul3A_74 : i32 to index
      %swap3A_76 = tpu.vector_load %arg7[%swap3A_75] {strides = array<i32>} : memref<102400xf32, #tpu.memory_space<vmem>>, vector<16xf32>,
      tpu.vector_store %arg7[%swap3A_75], %broadcast_in_dim3A_4 {strides = array<i32>} : memref<102400xf32, #tpu.memory_space<vmem>>, vector<16xf32>,
      %scan3A_77 = arith.constant 2 : i32
      %scan3A_78 = arith.addi %scan3A_67, %scan3A_77 : i32
      %mul3A_79 = arith.constant 16 : i32
      %mul3A_80 = arith.muli %scan3A_78, %mul3A_79 : i32
      %swap3A_81 = arith.index_cast %mul3A_80 : i32 to index
      %swap3A_82 = tpu.vector_load %arg7[%swap3A_81] {strides = array<i32>} : memref<102400xf32, #tpu.memory_space<vmem>>, vector<16xf32>,
      tpu.vector_store %arg7[%swap3A_81], %broadcast_in_dim3A_4 {strides = array<i32>} : memref<102400xf32, #tpu.memory_space<vmem>>, vector<16xf32>,
      %scan3A_83 = arith.constant 3 : i32
      %scan3A_84 = arith.addi %scan3A_67, %scan3A_83 : i32
      %mul3A_85 = arith.constant 16 : i32
      %mul3A_86 = arith.muli %scan3A_84, %mul3A_85 : i32
      %swap3A_87 = arith.index_cast %mul3A_86 : i32 to index
      %swap3A_88 = tpu.vector_load %arg7[%swap3A_87] {strides = array<i32>} : memref<102400xf32, #tpu.memory_space<vmem>>, vector<16xf32>,
      tpu.vector_store %arg7[%swap3A_87], %broadcast_in_dim3A_4 {strides = array<i32>} : memref<102400xf32, #tpu.memory_space<vmem>>, vector<16xf32>,
      %scan3A_89 = arith.constant 4 : i32
      %scan3A_90 = arith.addi %scan3A_67, %scan3A_89 : i32
      %mul3A_91 = arith.constant 16 : i32
      %mul3A_92 = arith.muli %scan3A_90, %mul3A_91 : i32
      %swap3A_93 = arith.index_cast %mul3A_92 : i32 to index
      %swap3A_94 = tpu.vector_load %arg7[%swap3A_93] {strides = array<i32>} : memref<102400xf32, #tpu.memory_space<vmem>>, vector<16xf32>,
      tpu.vector_store %arg7[%swap3A_93], %broadcast_in_dim3A_4 {strides = array<i32>} : memref<102400xf32, #tpu.memory_space<vmem>>, vector<16xf32>,
      %scan3A_95 = arith.constant 5 : i32
      %scan3A_96 = arith.addi %scan3A_67, %scan3A_95 : i32
      %mul3A_97 = arith.constant 16 : i32
      %mul3A_98 = arith.muli %scan3A_96, %mul3A_97 : i32
      %swap3A_99 = arith.index_cast %mul3A_98 : i32 to index
      %swap3A_100 = tpu.vector_load %arg7[%swap3A_99] {strides = array<i32>} : memref<102400xf32, #tpu.memory_space<vmem>>, vector<16xf32>,
      tpu.vector_store %arg7[%swap3A_99], %broadcast_in_dim3A_4 {strides = array<i32>} : memref<102400xf32, #tpu.memory_space<vmem>>, vector<16xf32>,
      %scan3A_101 = arith.constant 6 : i32
      %scan3A_102 = arith.addi %scan3A_67, %scan3A_101 : i32
      %mul3A_103 = arith.constant 16 : i32
      %mul3A_104 = arith.muli %scan3A_102, %mul3A_103 : i32
      %swap3A_105 = arith.index_cast %mul3A_104 : i32 to index
      %swap3A_106 = tpu.vector_load %arg7[%swap3A_105] {strides = array<i32>} : memref<102400xf32, #tpu.memory_space<vmem>>, vector<16xf32>,
      tpu.vector_store %arg7[%swap3A_105], %broadcast_in_dim3A_4 {strides = array<i32>} : memref<102400xf32, #tpu.memory_space<vmem>>, vector<16xf32>,
      %scan3A_107 = arith.constant 7 : i32
      %scan3A_108 = arith.addi %scan3A_67, %scan3A_107 : i32
      %mul3A_109 = arith.constant 16 : i32
      %mul3A_110 = arith.muli %scan3A_108, %mul3A_109 : i32
      %swap3A_111 = arith.index_cast %mul3A_110 : i32 to index
      %swap3A_112 = tpu.vector_load %arg7[%swap3A_111] {strides = array<i32>} : memref<102400xf32, #tpu.memory_space<vmem>>, vector<16xf32>,
      tpu.vector_store %arg7[%swap3A_111], %broadcast_in_dim3A_4 {strides = array<i32>} : memref<102400xf32, #tpu.memory_space<vmem>>, vector<16xf32>,
    }
    %scan3A_9 = arith.constant 6400 : i32
    %mul3A_10 = arith.constant 200000 : i32
    %mul3A_11 = arith.muli %add3A, %mul3A_10 : i32
    %add3A_12 = arith.constant 0 : i32
    %add3A_13 = arith.addi %mul3A_11, %add3A_12 : i32
    %dma_start3A = arith.constant 0 : i32
    %dma_start3A_14 = arith.constant 0 : i32
    %dma_start3A_15 = tpu.memref_slice %arg5[%dma_start3A, %dma_start3A_14] : memref<2x2000xi32, #tpu.memory_space<vmem>> -> memref<1x2000xi32, #tpu.memory_space<vmem>>
    %dma_start3A_16 = tpu.memref_squeeze %dma_start3A_15 : memref<1x2000xi32, #tpu.memory_space<vmem>> -> memref<2000xi32, #tpu.memory_space<vmem>>
    %dma_start3A_17 = tpu.memref_slice %arg3[%add3A_13] : memref<6400000xi32, #tpu.memory_space<hbm>> -> memref<2000xi32, #tpu.memory_space<hbm>>
    %dma_start3A_18 = arith.constant 0 : i32
    %dma_start3A_19 = tpu.memref_slice %arg5[%dma_start3A, %dma_start3A_18] : memref<2x2000xi32, #tpu.memory_space<vmem>> -> memref<1x2000xi32, #tpu.memory_space<vmem>>
    %dma_start3A_20 = tpu.memref_squeeze %dma_start3A_19 : memref<1x2000xi32, #tpu.memory_space<vmem>> -> memref<2000xi32, #tpu.memory_space<vmem>>
    %dma_start3A_21 = tpu.memref_slice %arg3[%add3A_13] : memref<6400000xi32, #tpu.memory_space<hbm>> -> memref<2000xi32, #tpu.memory_space<hbm>>
    tpu.enqueue_dma source(%dma_start3A_21 : memref<2000xi32, #tpu.memory_space<hbm>>) target(%dma_start3A_20 : memref<2000xi32, #tpu.memory_space<vmem>>) target_semaphore(%arg10 : memref<!tpu.dma_semaphore, #tpu.memory_space<semaphore_mem>>)
    %dma_start3A_22 = arith.constant 0 : i32
    %dma_start3A_23 = arith.constant 0 : i32
    %dma_start3A_24 = tpu.memref_slice %arg6[%dma_start3A_22, %dma_start3A_23] : memref<2x2000xf32, #tpu.memory_space<vmem>> -> memref<1x2000xf32, #tpu.memory_space<vmem>>
    %dma_start3A_25 = tpu.memref_squeeze %dma_start3A_24 : memref<1x2000xf32, #tpu.memory_space<vmem>> -> memref<2000xf32, #tpu.memory_space<vmem>>
    %dma_start3A_26 = tpu.memref_slice %arg2[%add3A_13] : memref<6400000xf32, #tpu.memory_space<hbm>> -> memref<2000xf32, #tpu.memory_space<hbm>>
    %dma_start3A_27 = arith.constant 0 : i32
    %dma_start3A_28 = tpu.memref_slice %arg6[%dma_start3A_22, %dma_start3A_27] : memref<2x2000xf32, #tpu.memory_space<vmem>> -> memref<1x2000xf32, #tpu.memory_space<vmem>>
    %dma_start3A_29 = tpu.memref_squeeze %dma_start3A_28 : memref<1x2000xf32, #tpu.memory_space<vmem>> -> memref<2000xf32, #tpu.memory_space<vmem>>
    %dma_start3A_30 = tpu.memref_slice %arg2[%add3A_13] : memref<6400000xf32, #tpu.memory_space<hbm>> -> memref<2000xf32, #tpu.memory_space<hbm>>
    tpu.enqueue_dma source(%dma_start3A_30 : memref<2000xf32, #tpu.memory_space<hbm>>) target(%dma_start3A_29 : memref<2000xf32, #tpu.memory_space<vmem>>) target_semaphore(%arg11 : memref<!tpu.dma_semaphore, #tpu.memory_space<semaphore_mem>>)
    %add3A_31 = arith.constant 2000 : i32
    %add3A_32 = arith.addi %mul3A_11, %add3A_31 : i32
    %dma_start3A_33 = arith.constant 1 : i32
    %dma_start3A_34 = arith.constant 0 : i32
    %dma_start3A_35 = tpu.memref_slice %arg5[%dma_start3A_33, %dma_start3A_34] : memref<2x2000xi32, #tpu.memory_space<vmem>> -> memref<1x2000xi32, #tpu.memory_space<vmem>>
    %dma_start3A_36 = tpu.memref_squeeze %dma_start3A_35 : memref<1x2000xi32, #tpu.memory_space<vmem>> -> memref<2000xi32, #tpu.memory_space<vmem>>
    %dma_start3A_37 = tpu.memref_slice %arg3[%add3A_32] : memref<6400000xi32, #tpu.memory_space<hbm>> -> memref<2000xi32, #tpu.memory_space<hbm>>
    %dma_start3A_38 = arith.constant 0 : i32
    %dma_start3A_39 = tpu.memref_slice %arg5[%dma_start3A_33, %dma_start3A_38] : memref<2x2000xi32, #tpu.memory_space<vmem>> -> memref<1x2000xi32, #tpu.memory_space<vmem>>
    %dma_start3A_40 = tpu.memref_squeeze %dma_start3A_39 : memref<1x2000xi32, #tpu.memory_space<vmem>> -> memref<2000xi32, #tpu.memory_space<vmem>>
    %dma_start3A_41 = tpu.memref_slice %arg3[%add3A_32] : memref<6400000xi32, #tpu.memory_space<hbm>> -> memref<2000xi32, #tpu.memory_space<hbm>>
    tpu.enqueue_dma source(%dma_start3A_41 : memref<2000xi32, #tpu.memory_space<hbm>>) target(%dma_start3A_40 : memref<2000xi32, #tpu.memory_space<vmem>>) target_semaphore(%arg10 : memref<!tpu.dma_semaphore, #tpu.memory_space<semaphore_mem>>)
    %dma_start3A_42 = arith.constant 1 : i32
    %dma_start3A_43 = arith.constant 0 : i32
    %dma_start3A_44 = tpu.memref_slice %arg6[%dma_start3A_42, %dma_start3A_43] : memref<2x2000xf32, #tpu.memory_space<vmem>> -> memref<1x2000xf32, #tpu.memory_space<vmem>>
    %dma_start3A_45 = tpu.memref_squeeze %dma_start3A_44 : memref<1x2000xf32, #tpu.memory_space<vmem>> -> memref<2000xf32, #tpu.memory_space<vmem>>
    %dma_start3A_46 = tpu.memref_slice %arg2[%add3A_32] : memref<6400000xf32, #tpu.memory_space<hbm>> -> memref<2000xf32, #tpu.memory_space<hbm>>
    %dma_start3A_47 = arith.constant 0 : i32
    %dma_start3A_48 = tpu.memref_slice %arg6[%dma_start3A_42, %dma_start3A_47] : memref<2x2000xf32, #tpu.memory_space<vmem>> -> memref<1x2000xf32, #tpu.memory_space<vmem>>
    %dma_start3A_49 = tpu.memref_squeeze %dma_start3A_48 : memref<1x2000xf32, #tpu.memory_space<vmem>> -> memref<2000xf32, #tpu.memory_space<vmem>>
    %dma_start3A_50 = tpu.memref_slice %arg2[%add3A_32] : memref<6400000xf32, #tpu.memory_space<hbm>> -> memref<2000xf32, #tpu.memory_space<hbm>>
    tpu.enqueue_dma source(%dma_start3A_50 : memref<2000xf32, #tpu.memory_space<hbm>>) target(%dma_start3A_49 : memref<2000xf32, #tpu.memory_space<vmem>>) target_semaphore(%arg11 : memref<!tpu.dma_semaphore, #tpu.memory_space<semaphore_mem>>)
    %scan3A_51 = arith.constant 0 : i32
    %scan3A_52 = arith.constant 0 : i32
    %scan3A_53 = arith.constant 50 : i32
    %scan3A_54 = arith.addi %scan3A_52, %scan3A_53 : i32
    %scan3A_55 = arith.constant 1 : i32
    scf.for %scan3A_67 = %scan3A_52 to %scan3A_54 step %scan3A_55  : i32 {
      %mul3A_68 = arith.constant 2 : i32
      %mul3A_69 = arith.muli %scan3A_67, %mul3A_68 : i32
      %add3A_70 = arith.constant 0 : i32
      %add3A_71 = arith.addi %mul3A_69, %add3A_70 : i32
      %dma_wait3A = arith.constant 0 : i32
      %dma_wait3A_72 = arith.constant 0 : i32
      %dma_wait3A_73 = tpu.memref_slice %arg5[%dma_wait3A, %dma_wait3A_72] : memref<2x2000xi32, #tpu.memory_space<vmem>> -> memref<1x2000xi32, #tpu.memory_space<vmem>>
      %dma_wait3A_74 = tpu.memref_squeeze %dma_wait3A_73 : memref<1x2000xi32, #tpu.memory_space<vmem>> -> memref<2000xi32, #tpu.memory_space<vmem>>
      %dma_wait3A_75 = arith.constant 0 : i32
      %dma_wait3A_76 = tpu.memref_slice %arg3[%dma_wait3A_75] : memref<6400000xi32, #tpu.memory_space<hbm>> -> memref<2000xi32, #tpu.memory_space<hbm>>
      %dma_wait3A_77 = arith.constant 0 : i32
      %dma_wait3A_78 = tpu.memref_slice %arg5[%dma_wait3A, %dma_wait3A_77] : memref<2x2000xi32, #tpu.memory_space<vmem>> -> memref<1x2000xi32, #tpu.memory_space<vmem>>
      %dma_wait3A_79 = tpu.memref_squeeze %dma_wait3A_78 : memref<1x2000xi32, #tpu.memory_space<vmem>> -> memref<2000xi32, #tpu.memory_space<vmem>>
      %dma_wait3A_80 = arith.constant 0 : i32
      %dma_wait3A_81 = tpu.memref_slice %arg3[%dma_wait3A_80] : memref<6400000xi32, #tpu.memory_space<hbm>> -> memref<2000xi32, #tpu.memory_space<hbm>>
      tpu.wait_dma2 semaphore(%arg10 : memref<!tpu.dma_semaphore, #tpu.memory_space<semaphore_mem>>) src(%dma_wait3A_81 : memref<2000xi32, #tpu.memory_space<hbm>>) dst(%dma_wait3A_79 : memref<2000xi32, #tpu.memory_space<vmem>>)
      %dma_wait3A_82 = arith.constant 0 : i32
      %dma_wait3A_83 = arith.constant 0 : i32
      %dma_wait3A_84 = tpu.memref_slice %arg6[%dma_wait3A_82, %dma_wait3A_83] : memref<2x2000xf32, #tpu.memory_space<vmem>> -> memref<1x2000xf32, #tpu.memory_space<vmem>>
      %dma_wait3A_85 = tpu.memref_squeeze %dma_wait3A_84 : memref<1x2000xf32, #tpu.memory_space<vmem>> -> memref<2000xf32, #tpu.memory_space<vmem>>
      %dma_wait3A_86 = arith.constant 0 : i32
      %dma_wait3A_87 = tpu.memref_slice %arg2[%dma_wait3A_86] : memref<6400000xf32, #tpu.memory_space<hbm>> -> memref<2000xf32, #tpu.memory_space<hbm>>
      %dma_wait3A_88 = arith.constant 0 : i32
      %dma_wait3A_89 = tpu.memref_slice %arg6[%dma_wait3A_82, %dma_wait3A_88] : memref<2x2000xf32, #tpu.memory_space<vmem>> -> memref<1x2000xf32, #tpu.memory_space<vmem>>
      %dma_wait3A_90 = tpu.memref_squeeze %dma_wait3A_89 : memref<1x2000xf32, #tpu.memory_space<vmem>> -> memref<2000xf32, #tpu.memory_space<vmem>>
      %dma_wait3A_91 = arith.constant 0 : i32
      %dma_wait3A_92 = tpu.memref_slice %arg2[%dma_wait3A_91] : memref<6400000xf32, #tpu.memory_space<hbm>> -> memref<2000xf32, #tpu.memory_space<hbm>>
      tpu.wait_dma2 semaphore(%arg11 : memref<!tpu.dma_semaphore, #tpu.memory_space<semaphore_mem>>) src(%dma_wait3A_92 : memref<2000xf32, #tpu.memory_space<hbm>>) dst(%dma_wait3A_90 : memref<2000xf32, #tpu.memory_space<vmem>>)
      %scan3A_93 = arith.constant 0 : i32
      %scan3A_94 = arith.constant 0 : i32
      %scan3A_95 = arith.constant 0 : i32
      %scan3A_96 = arith.constant 0 : i32
      %scan3A_97 = arith.constant 25 : i32
      %scan3A_98 = arith.addi %scan3A_96, %scan3A_97 : i32
      %scan3A_99 = arith.constant 1 : i32
      scf.for %scan3A_146 = %scan3A_96 to %scan3A_98 step %scan3A_99  : i32 {
        %mul3A_147 = arith.constant 5 : i32
        %mul3A_148 = arith.muli %scan3A_146, %mul3A_147 : i32
        %add3A_149 = arith.constant 0 : i32
        %add3A_150 = arith.addi %mul3A_148, %add3A_149 : i32
        %add3A_151 = vector.broadcast %add3A_150 : i32 to vector<16xi32>
        %add3A_152 = arith.addi %mul3A_3, %add3A_151 : vector<16xi32>
        %gather3A = arith.constant 0 : i32
        %gather3A_153 = tpu.memref_slice %arg5[%scan3A_94, %gather3A] : memref<2x2000xi32, #tpu.memory_space<vmem>> -> memref<1x2000xi32, #tpu.memory_space<vmem>>
        %gather3A_154 = tpu.memref_squeeze %gather3A_153 : memref<1x2000xi32, #tpu.memory_space<vmem>> -> memref<2000xi32, #tpu.memory_space<vmem>>
        %gather3A_155 = tpu.vector_load_idx %gather3A_154[%add3A_152] : memref<2000xi32, #tpu.memory_space<vmem>>[vector<16xi32>], vector<16xi32>,
        %gather3A_156 = arith.constant 0 : i32
        %gather3A_157 = tpu.memref_slice %arg6[%scan3A_95, %gather3A_156] : memref<2x2000xf32, #tpu.memory_space<vmem>> -> memref<1x2000xf32, #tpu.memory_space<vmem>>
        %gather3A_158 = tpu.memref_squeeze %gather3A_157 : memref<1x2000xf32, #tpu.memory_space<vmem>> -> memref<2000xf32, #tpu.memory_space<vmem>>
        %gather3A_159 = tpu.vector_load_idx %gather3A_158[%add3A_152] : memref<2000xf32, #tpu.memory_space<vmem>>[vector<16xi32>], vector<16xf32>,
        tpu.vector_store_idx %arg7[%gather3A_155], %gather3A_159 {add = true} : memref<102400xf32, #tpu.memory_space<vmem>>[vector<16xi32>], vector<16xf32>,
        %mul3A_160 = arith.constant 5 : i32
        %mul3A_161 = arith.muli %scan3A_146, %mul3A_160 : i32
        %add3A_162 = arith.constant 1 : i32
        %add3A_163 = arith.addi %mul3A_161, %add3A_162 : i32
        %add3A_164 = vector.broadcast %add3A_163 : i32 to vector<16xi32>
        %add3A_165 = arith.addi %mul3A_3, %add3A_164 : vector<16xi32>
        %gather3A_166 = arith.constant 0 : i32
        %gather3A_167 = tpu.memref_slice %arg5[%scan3A_94, %gather3A_166] : memref<2x2000xi32, #tpu.memory_space<vmem>> -> memref<1x2000xi32, #tpu.memory_space<vmem>>
        %gather3A_168 = tpu.memref_squeeze %gather3A_167 : memref<1x2000xi32, #tpu.memory_space<vmem>> -> memref<2000xi32, #tpu.memory_space<vmem>>
        %gather3A_169 = tpu.vector_load_idx %gather3A_168[%add3A_165] : memref<2000xi32, #tpu.memory_space<vmem>>[vector<16xi32>], vector<16xi32>,
        %gather3A_170 = arith.constant 0 : i32
        %gather3A_171 = tpu.memref_slice %arg6[%scan3A_95, %gather3A_170] : memref<2x2000xf32, #tpu.memory_space<vmem>> -> memref<1x2000xf32, #tpu.memory_space<vmem>>
        %gather3A_172 = tpu.memref_squeeze %gather3A_171 : memref<1x2000xf32, #tpu.memory_space<vmem>> -> memref<2000xf32, #tpu.memory_space<vmem>>
        %gather3A_173 = tpu.vector_load_idx %gather3A_172[%add3A_165] : memref<2000xf32, #tpu.memory_space<vmem>>[vector<16xi32>], vector<16xf32>,
        tpu.vector_store_idx %arg7[%gather3A_169], %gather3A_173 {add = true} : memref<102400xf32, #tpu.memory_space<vmem>>[vector<16xi32>], vector<16xf32>,
        %mul3A_174 = arith.constant 5 : i32
        %mul3A_175 = arith.muli %scan3A_146, %mul3A_174 : i32
        %add3A_176 = arith.constant 2 : i32
        %add3A_177 = arith.addi %mul3A_175, %add3A_176 : i32
        %add3A_178 = vector.broadcast %add3A_177 : i32 to vector<16xi32>
        %add3A_179 = arith.addi %mul3A_3, %add3A_178 : vector<16xi32>
        %gather3A_180 = arith.constant 0 : i32
        %gather3A_181 = tpu.memref_slice %arg5[%scan3A_94, %gather3A_180] : memref<2x2000xi32, #tpu.memory_space<vmem>> -> memref<1x2000xi32, #tpu.memory_space<vmem>>
        %gather3A_182 = tpu.memref_squeeze %gather3A_181 : memref<1x2000xi32, #tpu.memory_space<vmem>> -> memref<2000xi32, #tpu.memory_space<vmem>>
        %gather3A_183 = tpu.vector_load_idx %gather3A_182[%add3A_179] : memref<2000xi32, #tpu.memory_space<vmem>>[vector<16xi32>], vector<16xi32>,
        %gather3A_184 = arith.constant 0 : i32
        %gather3A_185 = tpu.memref_slice %arg6[%scan3A_95, %gather3A_184] : memref<2x2000xf32, #tpu.memory_space<vmem>> -> memref<1x2000xf32, #tpu.memory_space<vmem>>
        %gather3A_186 = tpu.memref_squeeze %gather3A_185 : memref<1x2000xf32, #tpu.memory_space<vmem>> -> memref<2000xf32, #tpu.memory_space<vmem>>
        %gather3A_187 = tpu.vector_load_idx %gather3A_186[%add3A_179] : memref<2000xf32, #tpu.memory_space<vmem>>[vector<16xi32>], vector<16xf32>,
        tpu.vector_store_idx %arg7[%gather3A_183], %gather3A_187 {add = true} : memref<102400xf32, #tpu.memory_space<vmem>>[vector<16xi32>], vector<16xf32>,
        %mul3A_188 = arith.constant 5 : i32
        %mul3A_189 = arith.muli %scan3A_146, %mul3A_188 : i32
        %add3A_190 = arith.constant 3 : i32
        %add3A_191 = arith.addi %mul3A_189, %add3A_190 : i32
        %add3A_192 = vector.broadcast %add3A_191 : i32 to vector<16xi32>
        %add3A_193 = arith.addi %mul3A_3, %add3A_192 : vector<16xi32>
        %gather3A_194 = arith.constant 0 : i32
        %gather3A_195 = tpu.memref_slice %arg5[%scan3A_94, %gather3A_194] : memref<2x2000xi32, #tpu.memory_space<vmem>> -> memref<1x2000xi32, #tpu.memory_space<vmem>>
        %gather3A_196 = tpu.memref_squeeze %gather3A_195 : memref<1x2000xi32, #tpu.memory_space<vmem>> -> memref<2000xi32, #tpu.memory_space<vmem>>
        %gather3A_197 = tpu.vector_load_idx %gather3A_196[%add3A_193] : memref<2000xi32, #tpu.memory_space<vmem>>[vector<16xi32>], vector<16xi32>,
        %gather3A_198 = arith.constant 0 : i32
        %gather3A_199 = tpu.memref_slice %arg6[%scan3A_95, %gather3A_198] : memref<2x2000xf32, #tpu.memory_space<vmem>> -> memref<1x2000xf32, #tpu.memory_space<vmem>>
        %gather3A_200 = tpu.memref_squeeze %gather3A_199 : memref<1x2000xf32, #tpu.memory_space<vmem>> -> memref<2000xf32, #tpu.memory_space<vmem>>
        %gather3A_201 = tpu.vector_load_idx %gather3A_200[%add3A_193] : memref<2000xf32, #tpu.memory_space<vmem>>[vector<16xi32>], vector<16xf32>,
        tpu.vector_store_idx %arg7[%gather3A_197], %gather3A_201 {add = true} : memref<102400xf32, #tpu.memory_space<vmem>>[vector<16xi32>], vector<16xf32>,
        %mul3A_202 = arith.constant 5 : i32
        %mul3A_203 = arith.muli %scan3A_146, %mul3A_202 : i32
        %add3A_204 = arith.constant 4 : i32
        %add3A_205 = arith.addi %mul3A_203, %add3A_204 : i32
        %add3A_206 = vector.broadcast %add3A_205 : i32 to vector<16xi32>
        %add3A_207 = arith.addi %mul3A_3, %add3A_206 : vector<16xi32>
        %gather3A_208 = arith.constant 0 : i32
        %gather3A_209 = tpu.memref_slice %arg5[%scan3A_94, %gather3A_208] : memref<2x2000xi32, #tpu.memory_space<vmem>> -> memref<1x2000xi32, #tpu.memory_space<vmem>>
        %gather3A_210 = tpu.memref_squeeze %gather3A_209 : memref<1x2000xi32, #tpu.memory_space<vmem>> -> memref<2000xi32, #tpu.memory_space<vmem>>
        %gather3A_211 = tpu.vector_load_idx %gather3A_210[%add3A_207] : memref<2000xi32, #tpu.memory_space<vmem>>[vector<16xi32>], vector<16xi32>,
        %gather3A_212 = arith.constant 0 : i32
        %gather3A_213 = tpu.memref_slice %arg6[%scan3A_95, %gather3A_212] : memref<2x2000xf32, #tpu.memory_space<vmem>> -> memref<1x2000xf32, #tpu.memory_space<vmem>>
        %gather3A_214 = tpu.memref_squeeze %gather3A_213 : memref<1x2000xf32, #tpu.memory_space<vmem>> -> memref<2000xf32, #tpu.memory_space<vmem>>
        %gather3A_215 = tpu.vector_load_idx %gather3A_214[%add3A_207] : memref<2000xf32, #tpu.memory_space<vmem>>[vector<16xi32>], vector<16xf32>,
        tpu.vector_store_idx %arg7[%gather3A_211], %gather3A_215 {add = true} : memref<102400xf32, #tpu.memory_space<vmem>>[vector<16xi32>], vector<16xf32>,
      }
      %scan3A_100 = arith.constant 25 : i32
      %add3A_101 = arith.constant 2 : i32
      %add3A_102 = arith.addi %add3A_71, %add3A_101 : i32
      %lt3A = arith.constant 100 : i32
      %lt3A_103 = arith.cmpi slt, %add3A_102, %lt3A : i32
      %convert_element_type3A = arith.extui %lt3A_103 : i1 to i32
      %cond3A = arith.constant 0 : i32
      %cond3A_104 = arith.cmpi ne, %convert_element_type3A, %cond3A : i32
      scf.if %cond3A_104 {
        %add3A_146 = arith.constant 2 : i32
        %add3A_147 = arith.addi %add3A_71, %add3A_146 : i32
        %mul3A_148 = arith.constant 2000 : i32
        %mul3A_149 = arith.muli %add3A_147, %mul3A_148 : i32
        %add3A_150 = arith.addi %mul3A_11, %mul3A_149 : i32
        %dma_start3A_151 = arith.constant 0 : i32
        %dma_start3A_152 = arith.constant 0 : i32
        %dma_start3A_153 = tpu.memref_slice %arg5[%dma_start3A_151, %dma_start3A_152] : memref<2x2000xi32, #tpu.memory_space<vmem>> -> memref<1x2000xi32, #tpu.memory_space<vmem>>
        %dma_start3A_154 = tpu.memref_squeeze %dma_start3A_153 : memref<1x2000xi32, #tpu.memory_space<vmem>> -> memref<2000xi32, #tpu.memory_space<vmem>>
        %dma_start3A_155 = tpu.memref_slice %arg3[%add3A_150] : memref<6400000xi32, #tpu.memory_space<hbm>> -> memref<2000xi32, #tpu.memory_space<hbm>>
        %dma_start3A_156 = arith.constant 0 : i32
        %dma_start3A_157 = tpu.memref_slice %arg5[%dma_start3A_151, %dma_start3A_156] : memref<2x2000xi32, #tpu.memory_space<vmem>> -> memref<1x2000xi32, #tpu.memory_space<vmem>>
        %dma_start3A_158 = tpu.memref_squeeze %dma_start3A_157 : memref<1x2000xi32, #tpu.memory_space<vmem>> -> memref<2000xi32, #tpu.memory_space<vmem>>
        %dma_start3A_159 = tpu.memref_slice %arg3[%add3A_150] : memref<6400000xi32, #tpu.memory_space<hbm>> -> memref<2000xi32, #tpu.memory_space<hbm>>
        tpu.enqueue_dma source(%dma_start3A_159 : memref<2000xi32, #tpu.memory_space<hbm>>) target(%dma_start3A_158 : memref<2000xi32, #tpu.memory_space<vmem>>) target_semaphore(%arg10 : memref<!tpu.dma_semaphore, #tpu.memory_space<semaphore_mem>>)
        %dma_start3A_160 = arith.constant 0 : i32
        %dma_start3A_161 = arith.constant 0 : i32
        %dma_start3A_162 = tpu.memref_slice %arg6[%dma_start3A_160, %dma_start3A_161] : memref<2x2000xf32, #tpu.memory_space<vmem>> -> memref<1x2000xf32, #tpu.memory_space<vmem>>
        %dma_start3A_163 = tpu.memref_squeeze %dma_start3A_162 : memref<1x2000xf32, #tpu.memory_space<vmem>> -> memref<2000xf32, #tpu.memory_space<vmem>>
        %dma_start3A_164 = tpu.memref_slice %arg2[%add3A_150] : memref<6400000xf32, #tpu.memory_space<hbm>> -> memref<2000xf32, #tpu.memory_space<hbm>>
        %dma_start3A_165 = arith.constant 0 : i32
        %dma_start3A_166 = tpu.memref_slice %arg6[%dma_start3A_160, %dma_start3A_165] : memref<2x2000xf32, #tpu.memory_space<vmem>> -> memref<1x2000xf32, #tpu.memory_space<vmem>>
        %dma_start3A_167 = tpu.memref_squeeze %dma_start3A_166 : memref<1x2000xf32, #tpu.memory_space<vmem>> -> memref<2000xf32, #tpu.memory_space<vmem>>
        %dma_start3A_168 = tpu.memref_slice %arg2[%add3A_150] : memref<6400000xf32, #tpu.memory_space<hbm>> -> memref<2000xf32, #tpu.memory_space<hbm>>
        tpu.enqueue_dma source(%dma_start3A_168 : memref<2000xf32, #tpu.memory_space<hbm>>) target(%dma_start3A_167 : memref<2000xf32, #tpu.memory_space<vmem>>) target_semaphore(%arg11 : memref<!tpu.dma_semaphore, #tpu.memory_space<semaphore_mem>>)
      } else {
      }
      %mul3A_105 = arith.constant 2 : i32
      %mul3A_106 = arith.muli %scan3A_67, %mul3A_105 : i32
      %add3A_107 = arith.constant 1 : i32
      %add3A_108 = arith.addi %mul3A_106, %add3A_107 : i32
      %dma_wait3A_109 = arith.constant 1 : i32
      %dma_wait3A_110 = arith.constant 0 : i32
      %dma_wait3A_111 = tpu.memref_slice %arg5[%dma_wait3A_109, %dma_wait3A_110] : memref<2x2000xi32, #tpu.memory_space<vmem>> -> memref<1x2000xi32, #tpu.memory_space<vmem>>
      %dma_wait3A_112 = tpu.memref_squeeze %dma_wait3A_111 : memref<1x2000xi32, #tpu.memory_space<vmem>> -> memref<2000xi32, #tpu.memory_space<vmem>>
      %dma_wait3A_113 = arith.constant 0 : i32
      %dma_wait3A_114 = tpu.memref_slice %arg3[%dma_wait3A_113] : memref<6400000xi32, #tpu.memory_space<hbm>> -> memref<2000xi32, #tpu.memory_space<hbm>>
      %dma_wait3A_115 = arith.constant 0 : i32
      %dma_wait3A_116 = tpu.memref_slice %arg5[%dma_wait3A_109, %dma_wait3A_115] : memref<2x2000xi32, #tpu.memory_space<vmem>> -> memref<1x2000xi32, #tpu.memory_space<vmem>>
      %dma_wait3A_117 = tpu.memref_squeeze %dma_wait3A_116 : memref<1x2000xi32, #tpu.memory_space<vmem>> -> memref<2000xi32, #tpu.memory_space<vmem>>
      %dma_wait3A_118 = arith.constant 0 : i32
      %dma_wait3A_119 = tpu.memref_slice %arg3[%dma_wait3A_118] : memref<6400000xi32, #tpu.memory_space<hbm>> -> memref<2000xi32, #tpu.memory_space<hbm>>
      tpu.wait_dma2 semaphore(%arg10 : memref<!tpu.dma_semaphore, #tpu.memory_space<semaphore_mem>>) src(%dma_wait3A_119 : memref<2000xi32, #tpu.memory_space<hbm>>) dst(%dma_wait3A_117 : memref<2000xi32, #tpu.memory_space<vmem>>)
      %dma_wait3A_120 = arith.constant 1 : i32
      %dma_wait3A_121 = arith.constant 0 : i32
      %dma_wait3A_122 = tpu.memref_slice %arg6[%dma_wait3A_120, %dma_wait3A_121] : memref<2x2000xf32, #tpu.memory_space<vmem>> -> memref<1x2000xf32, #tpu.memory_space<vmem>>
      %dma_wait3A_123 = tpu.memref_squeeze %dma_wait3A_122 : memref<1x2000xf32, #tpu.memory_space<vmem>> -> memref<2000xf32, #tpu.memory_space<vmem>>
      %dma_wait3A_124 = arith.constant 0 : i32
      %dma_wait3A_125 = tpu.memref_slice %arg2[%dma_wait3A_124] : memref<6400000xf32, #tpu.memory_space<hbm>> -> memref<2000xf32, #tpu.memory_space<hbm>>
      %dma_wait3A_126 = arith.constant 0 : i32
      %dma_wait3A_127 = tpu.memref_slice %arg6[%dma_wait3A_120, %dma_wait3A_126] : memref<2x2000xf32, #tpu.memory_space<vmem>> -> memref<1x2000xf32, #tpu.memory_space<vmem>>
      %dma_wait3A_128 = tpu.memref_squeeze %dma_wait3A_127 : memref<1x2000xf32, #tpu.memory_space<vmem>> -> memref<2000xf32, #tpu.memory_space<vmem>>
      %dma_wait3A_129 = arith.constant 0 : i32
      %dma_wait3A_130 = tpu.memref_slice %arg2[%dma_wait3A_129] : memref<6400000xf32, #tpu.memory_space<hbm>> -> memref<2000xf32, #tpu.memory_space<hbm>>
      tpu.wait_dma2 semaphore(%arg11 : memref<!tpu.dma_semaphore, #tpu.memory_space<semaphore_mem>>) src(%dma_wait3A_130 : memref<2000xf32, #tpu.memory_space<hbm>>) dst(%dma_wait3A_128 : memref<2000xf32, #tpu.memory_space<vmem>>)
      %scan3A_131 = arith.constant 0 : i32
      %scan3A_132 = arith.constant 1 : i32
      %scan3A_133 = arith.constant 1 : i32
      %scan3A_134 = arith.constant 0 : i32
      %scan3A_135 = arith.constant 25 : i32
      %scan3A_136 = arith.addi %scan3A_134, %scan3A_135 : i32
      %scan3A_137 = arith.constant 1 : i32
      scf.for %scan3A_146 = %scan3A_134 to %scan3A_136 step %scan3A_137  : i32 {
        %mul3A_147 = arith.constant 5 : i32
        %mul3A_148 = arith.muli %scan3A_146, %mul3A_147 : i32
        %add3A_149 = arith.constant 0 : i32
        %add3A_150 = arith.addi %mul3A_148, %add3A_149 : i32
        %add3A_151 = vector.broadcast %add3A_150 : i32 to vector<16xi32>
        %add3A_152 = arith.addi %mul3A_3, %add3A_151 : vector<16xi32>
        %gather3A = arith.constant 0 : i32
        %gather3A_153 = tpu.memref_slice %arg5[%scan3A_132, %gather3A] : memref<2x2000xi32, #tpu.memory_space<vmem>> -> memref<1x2000xi32, #tpu.memory_space<vmem>>
        %gather3A_154 = tpu.memref_squeeze %gather3A_153 : memref<1x2000xi32, #tpu.memory_space<vmem>> -> memref<2000xi32, #tpu.memory_space<vmem>>
        %gather3A_155 = tpu.vector_load_idx %gather3A_154[%add3A_152] : memref<2000xi32, #tpu.memory_space<vmem>>[vector<16xi32>], vector<16xi32>,
        %gather3A_156 = arith.constant 0 : i32
        %gather3A_157 = tpu.memref_slice %arg6[%scan3A_133, %gather3A_156] : memref<2x2000xf32, #tpu.memory_space<vmem>> -> memref<1x2000xf32, #tpu.memory_space<vmem>>
        %gather3A_158 = tpu.memref_squeeze %gather3A_157 : memref<1x2000xf32, #tpu.memory_space<vmem>> -> memref<2000xf32, #tpu.memory_space<vmem>>
        %gather3A_159 = tpu.vector_load_idx %gather3A_158[%add3A_152] : memref<2000xf32, #tpu.memory_space<vmem>>[vector<16xi32>], vector<16xf32>,
        tpu.vector_store_idx %arg7[%gather3A_155], %gather3A_159 {add = true} : memref<102400xf32, #tpu.memory_space<vmem>>[vector<16xi32>], vector<16xf32>,
        %mul3A_160 = arith.constant 5 : i32
        %mul3A_161 = arith.muli %scan3A_146, %mul3A_160 : i32
        %add3A_162 = arith.constant 1 : i32
        %add3A_163 = arith.addi %mul3A_161, %add3A_162 : i32
        %add3A_164 = vector.broadcast %add3A_163 : i32 to vector<16xi32>
        %add3A_165 = arith.addi %mul3A_3, %add3A_164 : vector<16xi32>
        %gather3A_166 = arith.constant 0 : i32
        %gather3A_167 = tpu.memref_slice %arg5[%scan3A_132, %gather3A_166] : memref<2x2000xi32, #tpu.memory_space<vmem>> -> memref<1x2000xi32, #tpu.memory_space<vmem>>
        %gather3A_168 = tpu.memref_squeeze %gather3A_167 : memref<1x2000xi32, #tpu.memory_space<vmem>> -> memref<2000xi32, #tpu.memory_space<vmem>>
        %gather3A_169 = tpu.vector_load_idx %gather3A_168[%add3A_165] : memref<2000xi32, #tpu.memory_space<vmem>>[vector<16xi32>], vector<16xi32>,
        %gather3A_170 = arith.constant 0 : i32
        %gather3A_171 = tpu.memref_slice %arg6[%scan3A_133, %gather3A_170] : memref<2x2000xf32, #tpu.memory_space<vmem>> -> memref<1x2000xf32, #tpu.memory_space<vmem>>
        %gather3A_172 = tpu.memref_squeeze %gather3A_171 : memref<1x2000xf32, #tpu.memory_space<vmem>> -> memref<2000xf32, #tpu.memory_space<vmem>>
        %gather3A_173 = tpu.vector_load_idx %gather3A_172[%add3A_165] : memref<2000xf32, #tpu.memory_space<vmem>>[vector<16xi32>], vector<16xf32>,
        tpu.vector_store_idx %arg7[%gather3A_169], %gather3A_173 {add = true} : memref<102400xf32, #tpu.memory_space<vmem>>[vector<16xi32>], vector<16xf32>,
        %mul3A_174 = arith.constant 5 : i32
        %mul3A_175 = arith.muli %scan3A_146, %mul3A_174 : i32
        %add3A_176 = arith.constant 2 : i32
        %add3A_177 = arith.addi %mul3A_175, %add3A_176 : i32
        %add3A_178 = vector.broadcast %add3A_177 : i32 to vector<16xi32>
        %add3A_179 = arith.addi %mul3A_3, %add3A_178 : vector<16xi32>
        %gather3A_180 = arith.constant 0 : i32
        %gather3A_181 = tpu.memref_slice %arg5[%scan3A_132, %gather3A_180] : memref<2x2000xi32, #tpu.memory_space<vmem>> -> memref<1x2000xi32, #tpu.memory_space<vmem>>
        %gather3A_182 = tpu.memref_squeeze %gather3A_181 : memref<1x2000xi32, #tpu.memory_space<vmem>> -> memref<2000xi32, #tpu.memory_space<vmem>>
        %gather3A_183 = tpu.vector_load_idx %gather3A_182[%add3A_179] : memref<2000xi32, #tpu.memory_space<vmem>>[vector<16xi32>], vector<16xi32>,
        %gather3A_184 = arith.constant 0 : i32
        %gather3A_185 = tpu.memref_slice %arg6[%scan3A_133, %gather3A_184] : memref<2x2000xf32, #tpu.memory_space<vmem>> -> memref<1x2000xf32, #tpu.memory_space<vmem>>
        %gather3A_186 = tpu.memref_squeeze %gather3A_185 : memref<1x2000xf32, #tpu.memory_space<vmem>> -> memref<2000xf32, #tpu.memory_space<vmem>>
        %gather3A_187 = tpu.vector_load_idx %gather3A_186[%add3A_179] : memref<2000xf32, #tpu.memory_space<vmem>>[vector<16xi32>], vector<16xf32>,
        tpu.vector_store_idx %arg7[%gather3A_183], %gather3A_187 {add = true} : memref<102400xf32, #tpu.memory_space<vmem>>[vector<16xi32>], vector<16xf32>,
        %mul3A_188 = arith.constant 5 : i32
        %mul3A_189 = arith.muli %scan3A_146, %mul3A_188 : i32
        %add3A_190 = arith.constant 3 : i32
        %add3A_191 = arith.addi %mul3A_189, %add3A_190 : i32
        %add3A_192 = vector.broadcast %add3A_191 : i32 to vector<16xi32>
        %add3A_193 = arith.addi %mul3A_3, %add3A_192 : vector<16xi32>
        %gather3A_194 = arith.constant 0 : i32
        %gather3A_195 = tpu.memref_slice %arg5[%scan3A_132, %gather3A_194] : memref<2x2000xi32, #tpu.memory_space<vmem>> -> memref<1x2000xi32, #tpu.memory_space<vmem>>
        %gather3A_196 = tpu.memref_squeeze %gather3A_195 : memref<1x2000xi32, #tpu.memory_space<vmem>> -> memref<2000xi32, #tpu.memory_space<vmem>>
        %gather3A_197 = tpu.vector_load_idx %gather3A_196[%add3A_193] : memref<2000xi32, #tpu.memory_space<vmem>>[vector<16xi32>], vector<16xi32>,
        %gather3A_198 = arith.constant 0 : i32
        %gather3A_199 = tpu.memref_slice %arg6[%scan3A_133, %gather3A_198] : memref<2x2000xf32, #tpu.memory_space<vmem>> -> memref<1x2000xf32, #tpu.memory_space<vmem>>
        %gather3A_200 = tpu.memref_squeeze %gather3A_199 : memref<1x2000xf32, #tpu.memory_space<vmem>> -> memref<2000xf32, #tpu.memory_space<vmem>>
        %gather3A_201 = tpu.vector_load_idx %gather3A_200[%add3A_193] : memref<2000xf32, #tpu.memory_space<vmem>>[vector<16xi32>], vector<16xf32>,
        tpu.vector_store_idx %arg7[%gather3A_197], %gather3A_201 {add = true} : memref<102400xf32, #tpu.memory_space<vmem>>[vector<16xi32>], vector<16xf32>,
        %mul3A_202 = arith.constant 5 : i32
        %mul3A_203 = arith.muli %scan3A_146, %mul3A_202 : i32
        %add3A_204 = arith.constant 4 : i32
        %add3A_205 = arith.addi %mul3A_203, %add3A_204 : i32
        %add3A_206 = vector.broadcast %add3A_205 : i32 to vector<16xi32>
        %add3A_207 = arith.addi %mul3A_3, %add3A_206 : vector<16xi32>
        %gather3A_208 = arith.constant 0 : i32
        %gather3A_209 = tpu.memref_slice %arg5[%scan3A_132, %gather3A_208] : memref<2x2000xi32, #tpu.memory_space<vmem>> -> memref<1x2000xi32, #tpu.memory_space<vmem>>
        %gather3A_210 = tpu.memref_squeeze %gather3A_209 : memref<1x2000xi32, #tpu.memory_space<vmem>> -> memref<2000xi32, #tpu.memory_space<vmem>>
        %gather3A_211 = tpu.vector_load_idx %gather3A_210[%add3A_207] : memref<2000xi32, #tpu.memory_space<vmem>>[vector<16xi32>], vector<16xi32>,
        %gather3A_212 = arith.constant 0 : i32
        %gather3A_213 = tpu.memref_slice %arg6[%scan3A_133, %gather3A_212] : memref<2x2000xf32, #tpu.memory_space<vmem>> -> memref<1x2000xf32, #tpu.memory_space<vmem>>
        %gather3A_214 = tpu.memref_squeeze %gather3A_213 : memref<1x2000xf32, #tpu.memory_space<vmem>> -> memref<2000xf32, #tpu.memory_space<vmem>>
        %gather3A_215 = tpu.vector_load_idx %gather3A_214[%add3A_207] : memref<2000xf32, #tpu.memory_space<vmem>>[vector<16xi32>], vector<16xf32>,
        tpu.vector_store_idx %arg7[%gather3A_211], %gather3A_215 {add = true} : memref<102400xf32, #tpu.memory_space<vmem>>[vector<16xi32>], vector<16xf32>,
      }
      %scan3A_138 = arith.constant 25 : i32
      %add3A_139 = arith.constant 2 : i32
      %add3A_140 = arith.addi %add3A_108, %add3A_139 : i32
      %lt3A_141 = arith.constant 100 : i32
      %lt3A_142 = arith.cmpi slt, %add3A_140, %lt3A_141 : i32
      %convert_element_type3A_143 = arith.extui %lt3A_142 : i1 to i32
      %cond3A_144 = arith.constant 0 : i32
      %cond3A_145 = arith.cmpi ne, %convert_element_type3A_143, %cond3A_144 : i32
      scf.if %cond3A_145 {
        %add3A_146 = arith.constant 2 : i32
        %add3A_147 = arith.addi %add3A_108, %add3A_146 : i32
        %mul3A_148 = arith.constant 2000 : i32
        %mul3A_149 = arith.muli %add3A_147, %mul3A_148 : i32
        %add3A_150 = arith.addi %mul3A_11, %mul3A_149 : i32
        %dma_start3A_151 = arith.constant 1 : i32
        %dma_start3A_152 = arith.constant 0 : i32
        %dma_start3A_153 = tpu.memref_slice %arg5[%dma_start3A_151, %dma_start3A_152] : memref<2x2000xi32, #tpu.memory_space<vmem>> -> memref<1x2000xi32, #tpu.memory_space<vmem>>
        %dma_start3A_154 = tpu.memref_squeeze %dma_start3A_153 : memref<1x2000xi32, #tpu.memory_space<vmem>> -> memref<2000xi32, #tpu.memory_space<vmem>>
        %dma_start3A_155 = tpu.memref_slice %arg3[%add3A_150] : memref<6400000xi32, #tpu.memory_space<hbm>> -> memref<2000xi32, #tpu.memory_space<hbm>>
        %dma_start3A_156 = arith.constant 0 : i32
        %dma_start3A_157 = tpu.memref_slice %arg5[%dma_start3A_151, %dma_start3A_156] : memref<2x2000xi32, #tpu.memory_space<vmem>> -> memref<1x2000xi32, #tpu.memory_space<vmem>>
        %dma_start3A_158 = tpu.memref_squeeze %dma_start3A_157 : memref<1x2000xi32, #tpu.memory_space<vmem>> -> memref<2000xi32, #tpu.memory_space<vmem>>
        %dma_start3A_159 = tpu.memref_slice %arg3[%add3A_150] : memref<6400000xi32, #tpu.memory_space<hbm>> -> memref<2000xi32, #tpu.memory_space<hbm>>
        tpu.enqueue_dma source(%dma_start3A_159 : memref<2000xi32, #tpu.memory_space<hbm>>) target(%dma_start3A_158 : memref<2000xi32, #tpu.memory_space<vmem>>) target_semaphore(%arg10 : memref<!tpu.dma_semaphore, #tpu.memory_space<semaphore_mem>>)
        %dma_start3A_160 = arith.constant 1 : i32
        %dma_start3A_161 = arith.constant 0 : i32
        %dma_start3A_162 = tpu.memref_slice %arg6[%dma_start3A_160, %dma_start3A_161] : memref<2x2000xf32, #tpu.memory_space<vmem>> -> memref<1x2000xf32, #tpu.memory_space<vmem>>
        %dma_start3A_163 = tpu.memref_squeeze %dma_start3A_162 : memref<1x2000xf32, #tpu.memory_space<vmem>> -> memref<2000xf32, #tpu.memory_space<vmem>>
        %dma_start3A_164 = tpu.memref_slice %arg2[%add3A_150] : memref<6400000xf32, #tpu.memory_space<hbm>> -> memref<2000xf32, #tpu.memory_space<hbm>>
        %dma_start3A_165 = arith.constant 0 : i32
        %dma_start3A_166 = tpu.memref_slice %arg6[%dma_start3A_160, %dma_start3A_165] : memref<2x2000xf32, #tpu.memory_space<vmem>> -> memref<1x2000xf32, #tpu.memory_space<vmem>>
        %dma_start3A_167 = tpu.memref_squeeze %dma_start3A_166 : memref<1x2000xf32, #tpu.memory_space<vmem>> -> memref<2000xf32, #tpu.memory_space<vmem>>
        %dma_start3A_168 = tpu.memref_slice %arg2[%add3A_150] : memref<6400000xf32, #tpu.memory_space<hbm>> -> memref<2000xf32, #tpu.memory_space<hbm>>
        tpu.enqueue_dma source(%dma_start3A_168 : memref<2000xf32, #tpu.memory_space<hbm>>) target(%dma_start3A_167 : memref<2000xf32, #tpu.memory_space<vmem>>) target_semaphore(%arg11 : memref<!tpu.dma_semaphore, #tpu.memory_space<semaphore_mem>>)
      } else {
      }
    }
    %scan3A_56 = arith.constant 50 : i32
    %mul3A_57 = arith.constant 6400 : i32
    %mul3A_58 = arith.muli %arg1, %mul3A_57 : i32
    %broadcast_in_dim3A_59 = arith.constant 0.000000e+00 : f32
    %broadcast_in_dim3A_60 = vector.broadcast %broadcast_in_dim3A_59 : f32 to vector<16xf32>
    %scan3A_61 = arith.constant 0 : i32
    %scan3A_62 = arith.constant 0 : i32
    %scan3A_63 = arith.constant 16 : i32
    %scan3A_64 = arith.addi %scan3A_62, %scan3A_63 : i32
    %scan3A_65 = arith.constant 1 : i32
    scf.for %scan3A_67 = %scan3A_62 to %scan3A_64 step %scan3A_65  : i32 {
      %scan3A_68 = arith.constant 0 : i32
      %scan3A_69 = arith.constant 0 : i32
      %scan3A_70 = arith.constant 16 : i32
      %scan3A_71 = arith.addi %scan3A_69, %scan3A_70 : i32
      %scan3A_72 = arith.constant 1 : i32
      scf.for %scan3A_87 = %scan3A_69 to %scan3A_71 step %scan3A_72  : i32 {
        %mul3A_88 = arith.constant 6400 : i32
        %mul3A_89 = arith.muli %scan3A_87, %mul3A_88 : i32
        %mul3A_90 = arith.constant 400 : i32
        %mul3A_91 = arith.muli %scan3A_67, %mul3A_90 : i32
        %add3A_92 = arith.addi %mul3A_89, %mul3A_91 : i32
        %dma_start3A_93 = tpu.memref_slice %arg7[%add3A_92] : memref<102400xf32, #tpu.memory_space<vmem>> -> memref<400xf32, #tpu.memory_space<vmem>>
        %dma_start3A_94 = arith.constant 0 : i32
        %dma_start3A_95 = tpu.memref_slice %arg9[%scan3A_87, %arg1, %dma_start3A_94] : memref<16x16x400xf32, #tpu.memory_space<vmem_shared>> -> memref<1x1x400xf32, #tpu.memory_space<vmem_shared>>
        %dma_start3A_96 = tpu.memref_squeeze %dma_start3A_95 : memref<1x1x400xf32, #tpu.memory_space<vmem_shared>> -> memref<400xf32, #tpu.memory_space<vmem_shared>>
        %dma_start3A_97 = arith.constant 0 : i32
        %dma_start3A_98 = tpu.memref_slice %arg9[%scan3A_87, %arg1, %dma_start3A_97] : memref<16x16x400xf32, #tpu.memory_space<vmem_shared>> -> memref<1x1x400xf32, #tpu.memory_space<vmem_shared>>
        %dma_start3A_99 = tpu.memref_squeeze %dma_start3A_98 : memref<1x1x400xf32, #tpu.memory_space<vmem_shared>> -> memref<400xf32, #tpu.memory_space<vmem_shared>>
        %dma_start3A_100 = tpu.memref_slice %arg7[%add3A_92] : memref<102400xf32, #tpu.memory_space<vmem>> -> memref<400xf32, #tpu.memory_space<vmem>>
        tpu.enqueue_dma source(%dma_start3A_100 : memref<400xf32, #tpu.memory_space<vmem>>) target(%dma_start3A_99 : memref<400xf32, #tpu.memory_space<vmem_shared>>) target_semaphore(%arg12 : memref<!tpu.dma_semaphore, #tpu.memory_space<semaphore_mem>>)
      }
      %scan3A_73 = arith.constant 16 : i32
      %scan3A_74 = arith.constant 0 : i32
      %scan3A_75 = arith.constant 0 : i32
      %scan3A_76 = arith.constant 16 : i32
      %scan3A_77 = arith.addi %scan3A_75, %scan3A_76 : i32
      %scan3A_78 = arith.constant 1 : i32
      scf.for %scan3A_87 = %scan3A_75 to %scan3A_77 step %scan3A_78  : i32 {
        %dma_wait3A = arith.constant 0 : i32
        %dma_wait3A_88 = tpu.memref_slice %arg7[%dma_wait3A] : memref<102400xf32, #tpu.memory_space<vmem>> -> memref<400xf32, #tpu.memory_space<vmem>>
        %dma_wait3A_89 = arith.constant 0 : i32
        %dma_wait3A_90 = tpu.memref_slice %arg9[%scan3A_87, %arg1, %dma_wait3A_89] : memref<16x16x400xf32, #tpu.memory_space<vmem_shared>> -> memref<1x1x400xf32, #tpu.memory_space<vmem_shared>>
        %dma_wait3A_91 = tpu.memref_squeeze %dma_wait3A_90 : memref<1x1x400xf32, #tpu.memory_space<vmem_shared>> -> memref<400xf32, #tpu.memory_space<vmem_shared>>
        %dma_wait3A_92 = arith.constant 0 : i32
        %dma_wait3A_93 = tpu.memref_slice %arg9[%scan3A_87, %arg1, %dma_wait3A_92] : memref<16x16x400xf32, #tpu.memory_space<vmem_shared>> -> memref<1x1x400xf32, #tpu.memory_space<vmem_shared>>
        %dma_wait3A_94 = tpu.memref_squeeze %dma_wait3A_93 : memref<1x1x400xf32, #tpu.memory_space<vmem_shared>> -> memref<400xf32, #tpu.memory_space<vmem_shared>>
        %dma_wait3A_95 = arith.constant 0 : i32
        %dma_wait3A_96 = tpu.memref_slice %arg7[%dma_wait3A_95] : memref<102400xf32, #tpu.memory_space<vmem>> -> memref<400xf32, #tpu.memory_space<vmem>>
        tpu.wait_dma2 semaphore(%arg12 : memref<!tpu.dma_semaphore, #tpu.memory_space<semaphore_mem>>) src(%dma_wait3A_96 : memref<400xf32, #tpu.memory_space<vmem>>) dst(%dma_wait3A_94 : memref<400xf32, #tpu.memory_space<vmem_shared>>)
      }
      %scan3A_79 = arith.constant 16 : i32
      %barrier3A = arith.constant 0 : index
      tpu.barrier barrier_id(%barrier3A)
      "tpu.region"() ({
        %run_scoped3A = tpu.sem_alloc : memref<!tpu.dma_semaphore, #tpu.memory_space<semaphore_mem>>
        %dma_start3A_87 = arith.constant 0 : i32
        %dma_start3A_88 = arith.constant 0 : i32
        %dma_start3A_89 = tpu.memref_slice %arg9[%arg1, %dma_start3A_87, %dma_start3A_88] : memref<16x16x400xf32, #tpu.memory_space<vmem_shared>> -> memref<1x16x400xf32, #tpu.memory_space<vmem_shared>>
        %dma_start3A_90 = tpu.memref_squeeze %dma_start3A_89 : memref<1x16x400xf32, #tpu.memory_space<vmem_shared>> -> memref<16x400xf32, #tpu.memory_space<vmem_shared>>
        %dma_start3A_91 = arith.constant 0 : i32
        %dma_start3A_92 = arith.constant 0 : i32
        %dma_start3A_93 = tpu.memref_slice %arg9[%arg1, %dma_start3A_91, %dma_start3A_92] : memref<16x16x400xf32, #tpu.memory_space<vmem_shared>> -> memref<1x16x400xf32, #tpu.memory_space<vmem_shared>>
        %dma_start3A_94 = tpu.memref_squeeze %dma_start3A_93 : memref<1x16x400xf32, #tpu.memory_space<vmem_shared>> -> memref<16x400xf32, #tpu.memory_space<vmem_shared>>
        tpu.enqueue_dma source(%dma_start3A_94 : memref<16x400xf32, #tpu.memory_space<vmem_shared>>) target(%arg8 : memref<16x400xf32, #tpu.memory_space<vmem>>) target_semaphore(%run_scoped3A : memref<!tpu.dma_semaphore, #tpu.memory_space<semaphore_mem>>)
        %dma_wait3A = arith.constant 0 : i32
        %dma_wait3A_95 = arith.constant 0 : i32
        %dma_wait3A_96 = tpu.memref_slice %arg9[%arg1, %dma_wait3A, %dma_wait3A_95] : memref<16x16x400xf32, #tpu.memory_space<vmem_shared>> -> memref<1x16x400xf32, #tpu.memory_space<vmem_shared>>
        %dma_wait3A_97 = tpu.memref_squeeze %dma_wait3A_96 : memref<1x16x400xf32, #tpu.memory_space<vmem_shared>> -> memref<16x400xf32, #tpu.memory_space<vmem_shared>>
        %dma_wait3A_98 = arith.constant 0 : i32
        %dma_wait3A_99 = arith.constant 0 : i32
        %dma_wait3A_100 = tpu.memref_slice %arg9[%arg1, %dma_wait3A_98, %dma_wait3A_99] : memref<16x16x400xf32, #tpu.memory_space<vmem_shared>> -> memref<1x16x400xf32, #tpu.memory_space<vmem_shared>>
        %dma_wait3A_101 = tpu.memref_squeeze %dma_wait3A_100 : memref<1x16x400xf32, #tpu.memory_space<vmem_shared>> -> memref<16x400xf32, #tpu.memory_space<vmem_shared>>
        tpu.wait_dma2 semaphore(%run_scoped3A : memref<!tpu.dma_semaphore, #tpu.memory_space<semaphore_mem>>) src(%dma_wait3A_101 : memref<16x400xf32, #tpu.memory_space<vmem_shared>>) dst(%arg8 : memref<16x400xf32, #tpu.memory_space<vmem>>)
        tpu.yield
      }) : () -> ()
      %scan3A_80 = arith.constant 0 : i32
      %scan3A_81 = arith.constant 0 : i32
      %scan3A_82 = arith.constant 25 : i32
      %scan3A_83 = arith.addi %scan3A_81, %scan3A_82 : i32
      %scan3A_84 = arith.constant 5 : i32
      scf.for %scan3A_87 = %scan3A_81 to %scan3A_83 step %scan3A_84  : i32 {
        %mul3A_88 = arith.constant 16 : i32
        %mul3A_89 = arith.muli %scan3A_87, %mul3A_88 : i32
        %get3A = arith.constant 0 : i32
        %get3A_90 = arith.index_cast %get3A : i32 to index
        %get3A_91 = arith.index_cast %mul3A_89 : i32 to index
        %get3A_92 = tpu.vector_load %arg8[%get3A_90, %get3A_91] {strides = array<i32>} : memref<16x400xf32, #tpu.memory_space<vmem>>, vector<16xf32>,
        %mul3A_93 = arith.constant 16 : i32
        %mul3A_94 = arith.muli %scan3A_87, %mul3A_93 : i32
        %get3A_95 = arith.constant 1 : i32
        %get3A_96 = arith.index_cast %get3A_95 : i32 to index
        %get3A_97 = arith.index_cast %mul3A_94 : i32 to index
        %get3A_98 = tpu.vector_load %arg8[%get3A_96, %get3A_97] {strides = array<i32>} : memref<16x400xf32, #tpu.memory_space<vmem>>, vector<16xf32>,
        %add3A_99 = arith.addf %get3A_92, %get3A_98 : vector<16xf32>
        %mul3A_100 = arith.constant 16 : i32
        %mul3A_101 = arith.muli %scan3A_87, %mul3A_100 : i32
        %get3A_102 = arith.constant 2 : i32
        %get3A_103 = arith.index_cast %get3A_102 : i32 to index
        %get3A_104 = arith.index_cast %mul3A_101 : i32 to index
        %get3A_105 = tpu.vector_load %arg8[%get3A_103, %get3A_104] {strides = array<i32>} : memref<16x400xf32, #tpu.memory_space<vmem>>, vector<16xf32>,
        %add3A_106 = arith.addf %add3A_99, %get3A_105 : vector<16xf32>
        %mul3A_107 = arith.constant 16 : i32
        %mul3A_108 = arith.muli %scan3A_87, %mul3A_107 : i32
        %get3A_109 = arith.constant 3 : i32
        %get3A_110 = arith.index_cast %get3A_109 : i32 to index
        %get3A_111 = arith.index_cast %mul3A_108 : i32 to index
        %get3A_112 = tpu.vector_load %arg8[%get3A_110, %get3A_111] {strides = array<i32>} : memref<16x400xf32, #tpu.memory_space<vmem>>, vector<16xf32>,
        %add3A_113 = arith.addf %add3A_106, %get3A_112 : vector<16xf32>
        %mul3A_114 = arith.constant 16 : i32
        %mul3A_115 = arith.muli %scan3A_87, %mul3A_114 : i32
        %get3A_116 = arith.constant 4 : i32
        %get3A_117 = arith.index_cast %get3A_116 : i32 to index
        %get3A_118 = arith.index_cast %mul3A_115 : i32 to index
        %get3A_119 = tpu.vector_load %arg8[%get3A_117, %get3A_118] {strides = array<i32>} : memref<16x400xf32, #tpu.memory_space<vmem>>, vector<16xf32>,
        %add3A_120 = arith.addf %add3A_113, %get3A_119 : vector<16xf32>
        %mul3A_121 = arith.constant 16 : i32
        %mul3A_122 = arith.muli %scan3A_87, %mul3A_121 : i32
        %get3A_123 = arith.constant 5 : i32
        %get3A_124 = arith.index_cast %get3A_123 : i32 to index
        %get3A_125 = arith.index_cast %mul3A_122 : i32 to index
        %get3A_126 = tpu.vector_load %arg8[%get3A_124, %get3A_125] {strides = array<i32>} : memref<16x400xf32, #tpu.memory_space<vmem>>, vector<16xf32>,
        %add3A_127 = arith.addf %add3A_120, %get3A_126 : vector<16xf32>
        %mul3A_128 = arith.constant 16 : i32
        %mul3A_129 = arith.muli %scan3A_87, %mul3A_128 : i32
        %get3A_130 = arith.constant 6 : i32
        %get3A_131 = arith.index_cast %get3A_130 : i32 to index
        %get3A_132 = arith.index_cast %mul3A_129 : i32 to index
        %get3A_133 = tpu.vector_load %arg8[%get3A_131, %get3A_132] {strides = array<i32>} : memref<16x400xf32, #tpu.memory_space<vmem>>, vector<16xf32>,
        %add3A_134 = arith.addf %add3A_127, %get3A_133 : vector<16xf32>
        %mul3A_135 = arith.constant 16 : i32
        %mul3A_136 = arith.muli %scan3A_87, %mul3A_135 : i32
        %get3A_137 = arith.constant 7 : i32
        %get3A_138 = arith.index_cast %get3A_137 : i32 to index
        %get3A_139 = arith.index_cast %mul3A_136 : i32 to index
        %get3A_140 = tpu.vector_load %arg8[%get3A_138, %get3A_139] {strides = array<i32>} : memref<16x400xf32, #tpu.memory_space<vmem>>, vector<16xf32>,
        %add3A_141 = arith.addf %add3A_134, %get3A_140 : vector<16xf32>
        %mul3A_142 = arith.constant 16 : i32
        %mul3A_143 = arith.muli %scan3A_87, %mul3A_142 : i32
        %get3A_144 = arith.constant 8 : i32
        %get3A_145 = arith.index_cast %get3A_144 : i32 to index
        %get3A_146 = arith.index_cast %mul3A_143 : i32 to index
        %get3A_147 = tpu.vector_load %arg8[%get3A_145, %get3A_146] {strides = array<i32>} : memref<16x400xf32, #tpu.memory_space<vmem>>, vector<16xf32>,
        %add3A_148 = arith.addf %add3A_141, %get3A_147 : vector<16xf32>
        %mul3A_149 = arith.constant 16 : i32
        %mul3A_150 = arith.muli %scan3A_87, %mul3A_149 : i32
        %get3A_151 = arith.constant 9 : i32
        %get3A_152 = arith.index_cast %get3A_151 : i32 to index
        %get3A_153 = arith.index_cast %mul3A_150 : i32 to index
        %get3A_154 = tpu.vector_load %arg8[%get3A_152, %get3A_153] {strides = array<i32>} : memref<16x400xf32, #tpu.memory_space<vmem>>, vector<16xf32>,
        %add3A_155 = arith.addf %add3A_148, %get3A_154 : vector<16xf32>
        %mul3A_156 = arith.constant 16 : i32
        %mul3A_157 = arith.muli %scan3A_87, %mul3A_156 : i32
        %get3A_158 = arith.constant 10 : i32
        %get3A_159 = arith.index_cast %get3A_158 : i32 to index
        %get3A_160 = arith.index_cast %mul3A_157 : i32 to index
        %get3A_161 = tpu.vector_load %arg8[%get3A_159, %get3A_160] {strides = array<i32>} : memref<16x400xf32, #tpu.memory_space<vmem>>, vector<16xf32>,
        %add3A_162 = arith.addf %add3A_155, %get3A_161 : vector<16xf32>
        %mul3A_163 = arith.constant 16 : i32
        %mul3A_164 = arith.muli %scan3A_87, %mul3A_163 : i32
        %get3A_165 = arith.constant 11 : i32
        %get3A_166 = arith.index_cast %get3A_165 : i32 to index
        %get3A_167 = arith.index_cast %mul3A_164 : i32 to index
        %get3A_168 = tpu.vector_load %arg8[%get3A_166, %get3A_167] {strides = array<i32>} : memref<16x400xf32, #tpu.memory_space<vmem>>, vector<16xf32>,
        %add3A_169 = arith.addf %add3A_162, %get3A_168 : vector<16xf32>
        %mul3A_170 = arith.constant 16 : i32
        %mul3A_171 = arith.muli %scan3A_87, %mul3A_170 : i32
        %get3A_172 = arith.constant 12 : i32
        %get3A_173 = arith.index_cast %get3A_172 : i32 to index
        %get3A_174 = arith.index_cast %mul3A_171 : i32 to index
        %get3A_175 = tpu.vector_load %arg8[%get3A_173, %get3A_174] {strides = array<i32>} : memref<16x400xf32, #tpu.memory_space<vmem>>, vector<16xf32>,
        %add3A_176 = arith.addf %add3A_169, %get3A_175 : vector<16xf32>
        %mul3A_177 = arith.constant 16 : i32
        %mul3A_178 = arith.muli %scan3A_87, %mul3A_177 : i32
        %get3A_179 = arith.constant 13 : i32
        %get3A_180 = arith.index_cast %get3A_179 : i32 to index
        %get3A_181 = arith.index_cast %mul3A_178 : i32 to index
        %get3A_182 = tpu.vector_load %arg8[%get3A_180, %get3A_181] {strides = array<i32>} : memref<16x400xf32, #tpu.memory_space<vmem>>, vector<16xf32>,
        %add3A_183 = arith.addf %add3A_176, %get3A_182 : vector<16xf32>
        %mul3A_184 = arith.constant 16 : i32
        %mul3A_185 = arith.muli %scan3A_87, %mul3A_184 : i32
        %get3A_186 = arith.constant 14 : i32
        %get3A_187 = arith.index_cast %get3A_186 : i32 to index
        %get3A_188 = arith.index_cast %mul3A_185 : i32 to index
        %get3A_189 = tpu.vector_load %arg8[%get3A_187, %get3A_188] {strides = array<i32>} : memref<16x400xf32, #tpu.memory_space<vmem>>, vector<16xf32>,
        %add3A_190 = arith.addf %add3A_183, %get3A_189 : vector<16xf32>
        %mul3A_191 = arith.constant 16 : i32
        %mul3A_192 = arith.muli %scan3A_87, %mul3A_191 : i32
        %get3A_193 = arith.constant 15 : i32
        %get3A_194 = arith.index_cast %get3A_193 : i32 to index
        %get3A_195 = arith.index_cast %mul3A_192 : i32 to index
        %get3A_196 = tpu.vector_load %arg8[%get3A_194, %get3A_195] {strides = array<i32>} : memref<16x400xf32, #tpu.memory_space<vmem>>, vector<16xf32>,
        %add3A_197 = arith.addf %add3A_190, %get3A_196 : vector<16xf32>
        %mul3A_198 = arith.constant 400 : i32
        %mul3A_199 = arith.muli %scan3A_67, %mul3A_198 : i32
        %mul3A_200 = arith.constant 16 : i32
        %mul3A_201 = arith.muli %scan3A_87, %mul3A_200 : i32
        %add3A_202 = arith.addi %mul3A_199, %mul3A_201 : i32
        %swap3A = arith.index_cast %add3A_202 : i32 to index
        %swap3A_203 = tpu.vector_load %arg7[%swap3A] {strides = array<i32>} : memref<102400xf32, #tpu.memory_space<vmem>>, vector<16xf32>,
        tpu.vector_store %arg7[%swap3A], %add3A_197 {strides = array<i32>} : memref<102400xf32, #tpu.memory_space<vmem>>, vector<16xf32>,
        %scan3A_204 = arith.constant 1 : i32
        %scan3A_205 = arith.addi %scan3A_87, %scan3A_204 : i32
        %mul3A_206 = arith.constant 16 : i32
        %mul3A_207 = arith.muli %scan3A_205, %mul3A_206 : i32
        %get3A_208 = arith.constant 0 : i32
        %get3A_209 = arith.index_cast %get3A_208 : i32 to index
        %get3A_210 = arith.index_cast %mul3A_207 : i32 to index
        %get3A_211 = tpu.vector_load %arg8[%get3A_209, %get3A_210] {strides = array<i32>} : memref<16x400xf32, #tpu.memory_space<vmem>>, vector<16xf32>,
        %mul3A_212 = arith.constant 16 : i32
        %mul3A_213 = arith.muli %scan3A_205, %mul3A_212 : i32
        %get3A_214 = arith.constant 1 : i32
        %get3A_215 = arith.index_cast %get3A_214 : i32 to index
        %get3A_216 = arith.index_cast %mul3A_213 : i32 to index
        %get3A_217 = tpu.vector_load %arg8[%get3A_215, %get3A_216] {strides = array<i32>} : memref<16x400xf32, #tpu.memory_space<vmem>>, vector<16xf32>,
        %add3A_218 = arith.addf %get3A_211, %get3A_217 : vector<16xf32>
        %mul3A_219 = arith.constant 16 : i32
        %mul3A_220 = arith.muli %scan3A_205, %mul3A_219 : i32
        %get3A_221 = arith.constant 2 : i32
        %get3A_222 = arith.index_cast %get3A_221 : i32 to index
        %get3A_223 = arith.index_cast %mul3A_220 : i32 to index
        %get3A_224 = tpu.vector_load %arg8[%get3A_222, %get3A_223] {strides = array<i32>} : memref<16x400xf32, #tpu.memory_space<vmem>>, vector<16xf32>,
        %add3A_225 = arith.addf %add3A_218, %get3A_224 : vector<16xf32>
        %mul3A_226 = arith.constant 16 : i32
        %mul3A_227 = arith.muli %scan3A_205, %mul3A_226 : i32
        %get3A_228 = arith.constant 3 : i32
        %get3A_229 = arith.index_cast %get3A_228 : i32 to index
        %get3A_230 = arith.index_cast %mul3A_227 : i32 to index
        %get3A_231 = tpu.vector_load %arg8[%get3A_229, %get3A_230] {strides = array<i32>} : memref<16x400xf32, #tpu.memory_space<vmem>>, vector<16xf32>,
        %add3A_232 = arith.addf %add3A_225, %get3A_231 : vector<16xf32>
        %mul3A_233 = arith.constant 16 : i32
        %mul3A_234 = arith.muli %scan3A_205, %mul3A_233 : i32
        %get3A_235 = arith.constant 4 : i32
        %get3A_236 = arith.index_cast %get3A_235 : i32 to index
        %get3A_237 = arith.index_cast %mul3A_234 : i32 to index
        %get3A_238 = tpu.vector_load %arg8[%get3A_236, %get3A_237] {strides = array<i32>} : memref<16x400xf32, #tpu.memory_space<vmem>>, vector<16xf32>,
        %add3A_239 = arith.addf %add3A_232, %get3A_238 : vector<16xf32>
        %mul3A_240 = arith.constant 16 : i32
        %mul3A_241 = arith.muli %scan3A_205, %mul3A_240 : i32
        %get3A_242 = arith.constant 5 : i32
        %get3A_243 = arith.index_cast %get3A_242 : i32 to index
        %get3A_244 = arith.index_cast %mul3A_241 : i32 to index
        %get3A_245 = tpu.vector_load %arg8[%get3A_243, %get3A_244] {strides = array<i32>} : memref<16x400xf32, #tpu.memory_space<vmem>>, vector<16xf32>,
        %add3A_246 = arith.addf %add3A_239, %get3A_245 : vector<16xf32>
        %mul3A_247 = arith.constant 16 : i32
        %mul3A_248 = arith.muli %scan3A_205, %mul3A_247 : i32
        %get3A_249 = arith.constant 6 : i32
        %get3A_250 = arith.index_cast %get3A_249 : i32 to index
        %get3A_251 = arith.index_cast %mul3A_248 : i32 to index
        %get3A_252 = tpu.vector_load %arg8[%get3A_250, %get3A_251] {strides = array<i32>} : memref<16x400xf32, #tpu.memory_space<vmem>>, vector<16xf32>,
        %add3A_253 = arith.addf %add3A_246, %get3A_252 : vector<16xf32>
        %mul3A_254 = arith.constant 16 : i32
        %mul3A_255 = arith.muli %scan3A_205, %mul3A_254 : i32
        %get3A_256 = arith.constant 7 : i32
        %get3A_257 = arith.index_cast %get3A_256 : i32 to index
        %get3A_258 = arith.index_cast %mul3A_255 : i32 to index
        %get3A_259 = tpu.vector_load %arg8[%get3A_257, %get3A_258] {strides = array<i32>} : memref<16x400xf32, #tpu.memory_space<vmem>>, vector<16xf32>,
        %add3A_260 = arith.addf %add3A_253, %get3A_259 : vector<16xf32>
        %mul3A_261 = arith.constant 16 : i32
        %mul3A_262 = arith.muli %scan3A_205, %mul3A_261 : i32
        %get3A_263 = arith.constant 8 : i32
        %get3A_264 = arith.index_cast %get3A_263 : i32 to index
        %get3A_265 = arith.index_cast %mul3A_262 : i32 to index
        %get3A_266 = tpu.vector_load %arg8[%get3A_264, %get3A_265] {strides = array<i32>} : memref<16x400xf32, #tpu.memory_space<vmem>>, vector<16xf32>,
        %add3A_267 = arith.addf %add3A_260, %get3A_266 : vector<16xf32>
        %mul3A_268 = arith.constant 16 : i32
        %mul3A_269 = arith.muli %scan3A_205, %mul3A_268 : i32
        %get3A_270 = arith.constant 9 : i32
        %get3A_271 = arith.index_cast %get3A_270 : i32 to index
        %get3A_272 = arith.index_cast %mul3A_269 : i32 to index
        %get3A_273 = tpu.vector_load %arg8[%get3A_271, %get3A_272] {strides = array<i32>} : memref<16x400xf32, #tpu.memory_space<vmem>>, vector<16xf32>,
        %add3A_274 = arith.addf %add3A_267, %get3A_273 : vector<16xf32>
        %mul3A_275 = arith.constant 16 : i32
        %mul3A_276 = arith.muli %scan3A_205, %mul3A_275 : i32
        %get3A_277 = arith.constant 10 : i32
        %get3A_278 = arith.index_cast %get3A_277 : i32 to index
        %get3A_279 = arith.index_cast %mul3A_276 : i32 to index
        %get3A_280 = tpu.vector_load %arg8[%get3A_278, %get3A_279] {strides = array<i32>} : memref<16x400xf32, #tpu.memory_space<vmem>>, vector<16xf32>,
        %add3A_281 = arith.addf %add3A_274, %get3A_280 : vector<16xf32>
        %mul3A_282 = arith.constant 16 : i32
        %mul3A_283 = arith.muli %scan3A_205, %mul3A_282 : i32
        %get3A_284 = arith.constant 11 : i32
        %get3A_285 = arith.index_cast %get3A_284 : i32 to index
        %get3A_286 = arith.index_cast %mul3A_283 : i32 to index
        %get3A_287 = tpu.vector_load %arg8[%get3A_285, %get3A_286] {strides = array<i32>} : memref<16x400xf32, #tpu.memory_space<vmem>>, vector<16xf32>,
        %add3A_288 = arith.addf %add3A_281, %get3A_287 : vector<16xf32>
        %mul3A_289 = arith.constant 16 : i32
        %mul3A_290 = arith.muli %scan3A_205, %mul3A_289 : i32
        %get3A_291 = arith.constant 12 : i32
        %get3A_292 = arith.index_cast %get3A_291 : i32 to index
        %get3A_293 = arith.index_cast %mul3A_290 : i32 to index
        %get3A_294 = tpu.vector_load %arg8[%get3A_292, %get3A_293] {strides = array<i32>} : memref<16x400xf32, #tpu.memory_space<vmem>>, vector<16xf32>,
        %add3A_295 = arith.addf %add3A_288, %get3A_294 : vector<16xf32>
        %mul3A_296 = arith.constant 16 : i32
        %mul3A_297 = arith.muli %scan3A_205, %mul3A_296 : i32
        %get3A_298 = arith.constant 13 : i32
        %get3A_299 = arith.index_cast %get3A_298 : i32 to index
        %get3A_300 = arith.index_cast %mul3A_297 : i32 to index
        %get3A_301 = tpu.vector_load %arg8[%get3A_299, %get3A_300] {strides = array<i32>} : memref<16x400xf32, #tpu.memory_space<vmem>>, vector<16xf32>,
        %add3A_302 = arith.addf %add3A_295, %get3A_301 : vector<16xf32>
        %mul3A_303 = arith.constant 16 : i32
        %mul3A_304 = arith.muli %scan3A_205, %mul3A_303 : i32
        %get3A_305 = arith.constant 14 : i32
        %get3A_306 = arith.index_cast %get3A_305 : i32 to index
        %get3A_307 = arith.index_cast %mul3A_304 : i32 to index
        %get3A_308 = tpu.vector_load %arg8[%get3A_306, %get3A_307] {strides = array<i32>} : memref<16x400xf32, #tpu.memory_space<vmem>>, vector<16xf32>,
        %add3A_309 = arith.addf %add3A_302, %get3A_308 : vector<16xf32>
        %mul3A_310 = arith.constant 16 : i32
        %mul3A_311 = arith.muli %scan3A_205, %mul3A_310 : i32
        %get3A_312 = arith.constant 15 : i32
        %get3A_313 = arith.index_cast %get3A_312 : i32 to index
        %get3A_314 = arith.index_cast %mul3A_311 : i32 to index
        %get3A_315 = tpu.vector_load %arg8[%get3A_313, %get3A_314] {strides = array<i32>} : memref<16x400xf32, #tpu.memory_space<vmem>>, vector<16xf32>,
        %add3A_316 = arith.addf %add3A_309, %get3A_315 : vector<16xf32>
        %mul3A_317 = arith.constant 400 : i32
        %mul3A_318 = arith.muli %scan3A_67, %mul3A_317 : i32
        %mul3A_319 = arith.constant 16 : i32
        %mul3A_320 = arith.muli %scan3A_205, %mul3A_319 : i32
        %add3A_321 = arith.addi %mul3A_318, %mul3A_320 : i32
        %swap3A_322 = arith.index_cast %add3A_321 : i32 to index
        %swap3A_323 = tpu.vector_load %arg7[%swap3A_322] {strides = array<i32>} : memref<102400xf32, #tpu.memory_space<vmem>>, vector<16xf32>,
        tpu.vector_store %arg7[%swap3A_322], %add3A_316 {strides = array<i32>} : memref<102400xf32, #tpu.memory_space<vmem>>, vector<16xf32>,
        %scan3A_324 = arith.constant 2 : i32
        %scan3A_325 = arith.addi %scan3A_87, %scan3A_324 : i32
        %mul3A_326 = arith.constant 16 : i32
        %mul3A_327 = arith.muli %scan3A_325, %mul3A_326 : i32
        %get3A_328 = arith.constant 0 : i32
        %get3A_329 = arith.index_cast %get3A_328 : i32 to index
        %get3A_330 = arith.index_cast %mul3A_327 : i32 to index
        %get3A_331 = tpu.vector_load %arg8[%get3A_329, %get3A_330] {strides = array<i32>} : memref<16x400xf32, #tpu.memory_space<vmem>>, vector<16xf32>,
        %mul3A_332 = arith.constant 16 : i32
        %mul3A_333 = arith.muli %scan3A_325, %mul3A_332 : i32
        %get3A_334 = arith.constant 1 : i32
        %get3A_335 = arith.index_cast %get3A_334 : i32 to index
        %get3A_336 = arith.index_cast %mul3A_333 : i32 to index
        %get3A_337 = tpu.vector_load %arg8[%get3A_335, %get3A_336] {strides = array<i32>} : memref<16x400xf32, #tpu.memory_space<vmem>>, vector<16xf32>,
        %add3A_338 = arith.addf %get3A_331, %get3A_337 : vector<16xf32>
        %mul3A_339 = arith.constant 16 : i32
        %mul3A_340 = arith.muli %scan3A_325, %mul3A_339 : i32
        %get3A_341 = arith.constant 2 : i32
        %get3A_342 = arith.index_cast %get3A_341 : i32 to index
        %get3A_343 = arith.index_cast %mul3A_340 : i32 to index
        %get3A_344 = tpu.vector_load %arg8[%get3A_342, %get3A_343] {strides = array<i32>} : memref<16x400xf32, #tpu.memory_space<vmem>>, vector<16xf32>,
        %add3A_345 = arith.addf %add3A_338, %get3A_344 : vector<16xf32>
        %mul3A_346 = arith.constant 16 : i32
        %mul3A_347 = arith.muli %scan3A_325, %mul3A_346 : i32
        %get3A_348 = arith.constant 3 : i32
        %get3A_349 = arith.index_cast %get3A_348 : i32 to index
        %get3A_350 = arith.index_cast %mul3A_347 : i32 to index
        %get3A_351 = tpu.vector_load %arg8[%get3A_349, %get3A_350] {strides = array<i32>} : memref<16x400xf32, #tpu.memory_space<vmem>>, vector<16xf32>,
        %add3A_352 = arith.addf %add3A_345, %get3A_351 : vector<16xf32>
        %mul3A_353 = arith.constant 16 : i32
        %mul3A_354 = arith.muli %scan3A_325, %mul3A_353 : i32
        %get3A_355 = arith.constant 4 : i32
        %get3A_356 = arith.index_cast %get3A_355 : i32 to index
        %get3A_357 = arith.index_cast %mul3A_354 : i32 to index
        %get3A_358 = tpu.vector_load %arg8[%get3A_356, %get3A_357] {strides = array<i32>} : memref<16x400xf32, #tpu.memory_space<vmem>>, vector<16xf32>,
        %add3A_359 = arith.addf %add3A_352, %get3A_358 : vector<16xf32>
        %mul3A_360 = arith.constant 16 : i32
        %mul3A_361 = arith.muli %scan3A_325, %mul3A_360 : i32
        %get3A_362 = arith.constant 5 : i32
        %get3A_363 = arith.index_cast %get3A_362 : i32 to index
        %get3A_364 = arith.index_cast %mul3A_361 : i32 to index
        %get3A_365 = tpu.vector_load %arg8[%get3A_363, %get3A_364] {strides = array<i32>} : memref<16x400xf32, #tpu.memory_space<vmem>>, vector<16xf32>,
        %add3A_366 = arith.addf %add3A_359, %get3A_365 : vector<16xf32>
        %mul3A_367 = arith.constant 16 : i32
        %mul3A_368 = arith.muli %scan3A_325, %mul3A_367 : i32
        %get3A_369 = arith.constant 6 : i32
        %get3A_370 = arith.index_cast %get3A_369 : i32 to index
        %get3A_371 = arith.index_cast %mul3A_368 : i32 to index
        %get3A_372 = tpu.vector_load %arg8[%get3A_370, %get3A_371] {strides = array<i32>} : memref<16x400xf32, #tpu.memory_space<vmem>>, vector<16xf32>,
        %add3A_373 = arith.addf %add3A_366, %get3A_372 : vector<16xf32>
        %mul3A_374 = arith.constant 16 : i32
        %mul3A_375 = arith.muli %scan3A_325, %mul3A_374 : i32
        %get3A_376 = arith.constant 7 : i32
        %get3A_377 = arith.index_cast %get3A_376 : i32 to index
        %get3A_378 = arith.index_cast %mul3A_375 : i32 to index
        %get3A_379 = tpu.vector_load %arg8[%get3A_377, %get3A_378] {strides = array<i32>} : memref<16x400xf32, #tpu.memory_space<vmem>>, vector<16xf32>,
        %add3A_380 = arith.addf %add3A_373, %get3A_379 : vector<16xf32>
        %mul3A_381 = arith.constant 16 : i32
        %mul3A_382 = arith.muli %scan3A_325, %mul3A_381 : i32
        %get3A_383 = arith.constant 8 : i32
        %get3A_384 = arith.index_cast %get3A_383 : i32 to index
        %get3A_385 = arith.index_cast %mul3A_382 : i32 to index
        %get3A_386 = tpu.vector_load %arg8[%get3A_384, %get3A_385] {strides = array<i32>} : memref<16x400xf32, #tpu.memory_space<vmem>>, vector<16xf32>,
        %add3A_387 = arith.addf %add3A_380, %get3A_386 : vector<16xf32>
        %mul3A_388 = arith.constant 16 : i32
        %mul3A_389 = arith.muli %scan3A_325, %mul3A_388 : i32
        %get3A_390 = arith.constant 9 : i32
        %get3A_391 = arith.index_cast %get3A_390 : i32 to index
        %get3A_392 = arith.index_cast %mul3A_389 : i32 to index
        %get3A_393 = tpu.vector_load %arg8[%get3A_391, %get3A_392] {strides = array<i32>} : memref<16x400xf32, #tpu.memory_space<vmem>>, vector<16xf32>,
        %add3A_394 = arith.addf %add3A_387, %get3A_393 : vector<16xf32>
        %mul3A_395 = arith.constant 16 : i32
        %mul3A_396 = arith.muli %scan3A_325, %mul3A_395 : i32
        %get3A_397 = arith.constant 10 : i32
        %get3A_398 = arith.index_cast %get3A_397 : i32 to index
        %get3A_399 = arith.index_cast %mul3A_396 : i32 to index
        %get3A_400 = tpu.vector_load %arg8[%get3A_398, %get3A_399] {strides = array<i32>} : memref<16x400xf32, #tpu.memory_space<vmem>>, vector<16xf32>,
        %add3A_401 = arith.addf %add3A_394, %get3A_400 : vector<16xf32>
        %mul3A_402 = arith.constant 16 : i32
        %mul3A_403 = arith.muli %scan3A_325, %mul3A_402 : i32
        %get3A_404 = arith.constant 11 : i32
        %get3A_405 = arith.index_cast %get3A_404 : i32 to index
        %get3A_406 = arith.index_cast %mul3A_403 : i32 to index
        %get3A_407 = tpu.vector_load %arg8[%get3A_405, %get3A_406] {strides = array<i32>} : memref<16x400xf32, #tpu.memory_space<vmem>>, vector<16xf32>,
        %add3A_408 = arith.addf %add3A_401, %get3A_407 : vector<16xf32>
        %mul3A_409 = arith.constant 16 : i32
        %mul3A_410 = arith.muli %scan3A_325, %mul3A_409 : i32
        %get3A_411 = arith.constant 12 : i32
        %get3A_412 = arith.index_cast %get3A_411 : i32 to index
        %get3A_413 = arith.index_cast %mul3A_410 : i32 to index
        %get3A_414 = tpu.vector_load %arg8[%get3A_412, %get3A_413] {strides = array<i32>} : memref<16x400xf32, #tpu.memory_space<vmem>>, vector<16xf32>,
        %add3A_415 = arith.addf %add3A_408, %get3A_414 : vector<16xf32>
        %mul3A_416 = arith.constant 16 : i32
        %mul3A_417 = arith.muli %scan3A_325, %mul3A_416 : i32
        %get3A_418 = arith.constant 13 : i32
        %get3A_419 = arith.index_cast %get3A_418 : i32 to index
        %get3A_420 = arith.index_cast %mul3A_417 : i32 to index
        %get3A_421 = tpu.vector_load %arg8[%get3A_419, %get3A_420] {strides = array<i32>} : memref<16x400xf32, #tpu.memory_space<vmem>>, vector<16xf32>,
        %add3A_422 = arith.addf %add3A_415, %get3A_421 : vector<16xf32>
        %mul3A_423 = arith.constant 16 : i32
        %mul3A_424 = arith.muli %scan3A_325, %mul3A_423 : i32
        %get3A_425 = arith.constant 14 : i32
        %get3A_426 = arith.index_cast %get3A_425 : i32 to index
        %get3A_427 = arith.index_cast %mul3A_424 : i32 to index
        %get3A_428 = tpu.vector_load %arg8[%get3A_426, %get3A_427] {strides = array<i32>} : memref<16x400xf32, #tpu.memory_space<vmem>>, vector<16xf32>,
        %add3A_429 = arith.addf %add3A_422, %get3A_428 : vector<16xf32>
        %mul3A_430 = arith.constant 16 : i32
        %mul3A_431 = arith.muli %scan3A_325, %mul3A_430 : i32
        %get3A_432 = arith.constant 15 : i32
        %get3A_433 = arith.index_cast %get3A_432 : i32 to index
        %get3A_434 = arith.index_cast %mul3A_431 : i32 to index
        %get3A_435 = tpu.vector_load %arg8[%get3A_433, %get3A_434] {strides = array<i32>} : memref<16x400xf32, #tpu.memory_space<vmem>>, vector<16xf32>,
        %add3A_436 = arith.addf %add3A_429, %get3A_435 : vector<16xf32>
        %mul3A_437 = arith.constant 400 : i32
        %mul3A_438 = arith.muli %scan3A_67, %mul3A_437 : i32
        %mul3A_439 = arith.constant 16 : i32
        %mul3A_440 = arith.muli %scan3A_325, %mul3A_439 : i32
        %add3A_441 = arith.addi %mul3A_438, %mul3A_440 : i32
        %swap3A_442 = arith.index_cast %add3A_441 : i32 to index
        %swap3A_443 = tpu.vector_load %arg7[%swap3A_442] {strides = array<i32>} : memref<102400xf32, #tpu.memory_space<vmem>>, vector<16xf32>,
        tpu.vector_store %arg7[%swap3A_442], %add3A_436 {strides = array<i32>} : memref<102400xf32, #tpu.memory_space<vmem>>, vector<16xf32>,
        %scan3A_444 = arith.constant 3 : i32
        %scan3A_445 = arith.addi %scan3A_87, %scan3A_444 : i32
        %mul3A_446 = arith.constant 16 : i32
        %mul3A_447 = arith.muli %scan3A_445, %mul3A_446 : i32
        %get3A_448 = arith.constant 0 : i32
        %get3A_449 = arith.index_cast %get3A_448 : i32 to index
        %get3A_450 = arith.index_cast %mul3A_447 : i32 to index
        %get3A_451 = tpu.vector_load %arg8[%get3A_449, %get3A_450] {strides = array<i32>} : memref<16x400xf32, #tpu.memory_space<vmem>>, vector<16xf32>,
        %mul3A_452 = arith.constant 16 : i32
        %mul3A_453 = arith.muli %scan3A_445, %mul3A_452 : i32
        %get3A_454 = arith.constant 1 : i32
        %get3A_455 = arith.index_cast %get3A_454 : i32 to index
        %get3A_456 = arith.index_cast %mul3A_453 : i32 to index
        %get3A_457 = tpu.vector_load %arg8[%get3A_455, %get3A_456] {strides = array<i32>} : memref<16x400xf32, #tpu.memory_space<vmem>>, vector<16xf32>,
        %add3A_458 = arith.addf %get3A_451, %get3A_457 : vector<16xf32>
        %mul3A_459 = arith.constant 16 : i32
        %mul3A_460 = arith.muli %scan3A_445, %mul3A_459 : i32
        %get3A_461 = arith.constant 2 : i32
        %get3A_462 = arith.index_cast %get3A_461 : i32 to index
        %get3A_463 = arith.index_cast %mul3A_460 : i32 to index
        %get3A_464 = tpu.vector_load %arg8[%get3A_462, %get3A_463] {strides = array<i32>} : memref<16x400xf32, #tpu.memory_space<vmem>>, vector<16xf32>,
        %add3A_465 = arith.addf %add3A_458, %get3A_464 : vector<16xf32>
        %mul3A_466 = arith.constant 16 : i32
        %mul3A_467 = arith.muli %scan3A_445, %mul3A_466 : i32
        %get3A_468 = arith.constant 3 : i32
        %get3A_469 = arith.index_cast %get3A_468 : i32 to index
        %get3A_470 = arith.index_cast %mul3A_467 : i32 to index
        %get3A_471 = tpu.vector_load %arg8[%get3A_469, %get3A_470] {strides = array<i32>} : memref<16x400xf32, #tpu.memory_space<vmem>>, vector<16xf32>,
        %add3A_472 = arith.addf %add3A_465, %get3A_471 : vector<16xf32>
        %mul3A_473 = arith.constant 16 : i32
        %mul3A_474 = arith.muli %scan3A_445, %mul3A_473 : i32
        %get3A_475 = arith.constant 4 : i32
        %get3A_476 = arith.index_cast %get3A_475 : i32 to index
        %get3A_477 = arith.index_cast %mul3A_474 : i32 to index
        %get3A_478 = tpu.vector_load %arg8[%get3A_476, %get3A_477] {strides = array<i32>} : memref<16x400xf32, #tpu.memory_space<vmem>>, vector<16xf32>,
        %add3A_479 = arith.addf %add3A_472, %get3A_478 : vector<16xf32>
        %mul3A_480 = arith.constant 16 : i32
        %mul3A_481 = arith.muli %scan3A_445, %mul3A_480 : i32
        %get3A_482 = arith.constant 5 : i32
        %get3A_483 = arith.index_cast %get3A_482 : i32 to index
        %get3A_484 = arith.index_cast %mul3A_481 : i32 to index
        %get3A_485 = tpu.vector_load %arg8[%get3A_483, %get3A_484] {strides = array<i32>} : memref<16x400xf32, #tpu.memory_space<vmem>>, vector<16xf32>,
        %add3A_486 = arith.addf %add3A_479, %get3A_485 : vector<16xf32>
        %mul3A_487 = arith.constant 16 : i32
        %mul3A_488 = arith.muli %scan3A_445, %mul3A_487 : i32
        %get3A_489 = arith.constant 6 : i32
        %get3A_490 = arith.index_cast %get3A_489 : i32 to index
        %get3A_491 = arith.index_cast %mul3A_488 : i32 to index
        %get3A_492 = tpu.vector_load %arg8[%get3A_490, %get3A_491] {strides = array<i32>} : memref<16x400xf32, #tpu.memory_space<vmem>>, vector<16xf32>,
        %add3A_493 = arith.addf %add3A_486, %get3A_492 : vector<16xf32>
        %mul3A_494 = arith.constant 16 : i32
        %mul3A_495 = arith.muli %scan3A_445, %mul3A_494 : i32
        %get3A_496 = arith.constant 7 : i32
        %get3A_497 = arith.index_cast %get3A_496 : i32 to index
        %get3A_498 = arith.index_cast %mul3A_495 : i32 to index
        %get3A_499 = tpu.vector_load %arg8[%get3A_497, %get3A_498] {strides = array<i32>} : memref<16x400xf32, #tpu.memory_space<vmem>>, vector<16xf32>,
        %add3A_500 = arith.addf %add3A_493, %get3A_499 : vector<16xf32>
        %mul3A_501 = arith.constant 16 : i32
        %mul3A_502 = arith.muli %scan3A_445, %mul3A_501 : i32
        %get3A_503 = arith.constant 8 : i32
        %get3A_504 = arith.index_cast %get3A_503 : i32 to index
        %get3A_505 = arith.index_cast %mul3A_502 : i32 to index
        %get3A_506 = tpu.vector_load %arg8[%get3A_504, %get3A_505] {strides = array<i32>} : memref<16x400xf32, #tpu.memory_space<vmem>>, vector<16xf32>,
        %add3A_507 = arith.addf %add3A_500, %get3A_506 : vector<16xf32>
        %mul3A_508 = arith.constant 16 : i32
        %mul3A_509 = arith.muli %scan3A_445, %mul3A_508 : i32
        %get3A_510 = arith.constant 9 : i32
        %get3A_511 = arith.index_cast %get3A_510 : i32 to index
        %get3A_512 = arith.index_cast %mul3A_509 : i32 to index
        %get3A_513 = tpu.vector_load %arg8[%get3A_511, %get3A_512] {strides = array<i32>} : memref<16x400xf32, #tpu.memory_space<vmem>>, vector<16xf32>,
        %add3A_514 = arith.addf %add3A_507, %get3A_513 : vector<16xf32>
        %mul3A_515 = arith.constant 16 : i32
        %mul3A_516 = arith.muli %scan3A_445, %mul3A_515 : i32
        %get3A_517 = arith.constant 10 : i32
        %get3A_518 = arith.index_cast %get3A_517 : i32 to index
        %get3A_519 = arith.index_cast %mul3A_516 : i32 to index
        %get3A_520 = tpu.vector_load %arg8[%get3A_518, %get3A_519] {strides = array<i32>} : memref<16x400xf32, #tpu.memory_space<vmem>>, vector<16xf32>,
        %add3A_521 = arith.addf %add3A_514, %get3A_520 : vector<16xf32>
        %mul3A_522 = arith.constant 16 : i32
        %mul3A_523 = arith.muli %scan3A_445, %mul3A_522 : i32
        %get3A_524 = arith.constant 11 : i32
        %get3A_525 = arith.index_cast %get3A_524 : i32 to index
        %get3A_526 = arith.index_cast %mul3A_523 : i32 to index
        %get3A_527 = tpu.vector_load %arg8[%get3A_525, %get3A_526] {strides = array<i32>} : memref<16x400xf32, #tpu.memory_space<vmem>>, vector<16xf32>,
        %add3A_528 = arith.addf %add3A_521, %get3A_527 : vector<16xf32>
        %mul3A_529 = arith.constant 16 : i32
        %mul3A_530 = arith.muli %scan3A_445, %mul3A_529 : i32
        %get3A_531 = arith.constant 12 : i32
        %get3A_532 = arith.index_cast %get3A_531 : i32 to index
        %get3A_533 = arith.index_cast %mul3A_530 : i32 to index
        %get3A_534 = tpu.vector_load %arg8[%get3A_532, %get3A_533] {strides = array<i32>} : memref<16x400xf32, #tpu.memory_space<vmem>>, vector<16xf32>,
        %add3A_535 = arith.addf %add3A_528, %get3A_534 : vector<16xf32>
        %mul3A_536 = arith.constant 16 : i32
        %mul3A_537 = arith.muli %scan3A_445, %mul3A_536 : i32
        %get3A_538 = arith.constant 13 : i32
        %get3A_539 = arith.index_cast %get3A_538 : i32 to index
        %get3A_540 = arith.index_cast %mul3A_537 : i32 to index
        %get3A_541 = tpu.vector_load %arg8[%get3A_539, %get3A_540] {strides = array<i32>} : memref<16x400xf32, #tpu.memory_space<vmem>>, vector<16xf32>,
        %add3A_542 = arith.addf %add3A_535, %get3A_541 : vector<16xf32>
        %mul3A_543 = arith.constant 16 : i32
        %mul3A_544 = arith.muli %scan3A_445, %mul3A_543 : i32
        %get3A_545 = arith.constant 14 : i32
        %get3A_546 = arith.index_cast %get3A_545 : i32 to index
        %get3A_547 = arith.index_cast %mul3A_544 : i32 to index
        %get3A_548 = tpu.vector_load %arg8[%get3A_546, %get3A_547] {strides = array<i32>} : memref<16x400xf32, #tpu.memory_space<vmem>>, vector<16xf32>,
        %add3A_549 = arith.addf %add3A_542, %get3A_548 : vector<16xf32>
        %mul3A_550 = arith.constant 16 : i32
        %mul3A_551 = arith.muli %scan3A_445, %mul3A_550 : i32
        %get3A_552 = arith.constant 15 : i32
        %get3A_553 = arith.index_cast %get3A_552 : i32 to index
        %get3A_554 = arith.index_cast %mul3A_551 : i32 to index
        %get3A_555 = tpu.vector_load %arg8[%get3A_553, %get3A_554] {strides = array<i32>} : memref<16x400xf32, #tpu.memory_space<vmem>>, vector<16xf32>,
        %add3A_556 = arith.addf %add3A_549, %get3A_555 : vector<16xf32>
        %mul3A_557 = arith.constant 400 : i32
        %mul3A_558 = arith.muli %scan3A_67, %mul3A_557 : i32
        %mul3A_559 = arith.constant 16 : i32
        %mul3A_560 = arith.muli %scan3A_445, %mul3A_559 : i32
        %add3A_561 = arith.addi %mul3A_558, %mul3A_560 : i32
        %swap3A_562 = arith.index_cast %add3A_561 : i32 to index
        %swap3A_563 = tpu.vector_load %arg7[%swap3A_562] {strides = array<i32>} : memref<102400xf32, #tpu.memory_space<vmem>>, vector<16xf32>,
        tpu.vector_store %arg7[%swap3A_562], %add3A_556 {strides = array<i32>} : memref<102400xf32, #tpu.memory_space<vmem>>, vector<16xf32>,
        %scan3A_564 = arith.constant 4 : i32
        %scan3A_565 = arith.addi %scan3A_87, %scan3A_564 : i32
        %mul3A_566 = arith.constant 16 : i32
        %mul3A_567 = arith.muli %scan3A_565, %mul3A_566 : i32
        %get3A_568 = arith.constant 0 : i32
        %get3A_569 = arith.index_cast %get3A_568 : i32 to index
        %get3A_570 = arith.index_cast %mul3A_567 : i32 to index
        %get3A_571 = tpu.vector_load %arg8[%get3A_569, %get3A_570] {strides = array<i32>} : memref<16x400xf32, #tpu.memory_space<vmem>>, vector<16xf32>,
        %mul3A_572 = arith.constant 16 : i32
        %mul3A_573 = arith.muli %scan3A_565, %mul3A_572 : i32
        %get3A_574 = arith.constant 1 : i32
        %get3A_575 = arith.index_cast %get3A_574 : i32 to index
        %get3A_576 = arith.index_cast %mul3A_573 : i32 to index
        %get3A_577 = tpu.vector_load %arg8[%get3A_575, %get3A_576] {strides = array<i32>} : memref<16x400xf32, #tpu.memory_space<vmem>>, vector<16xf32>,
        %add3A_578 = arith.addf %get3A_571, %get3A_577 : vector<16xf32>
        %mul3A_579 = arith.constant 16 : i32
        %mul3A_580 = arith.muli %scan3A_565, %mul3A_579 : i32
        %get3A_581 = arith.constant 2 : i32
        %get3A_582 = arith.index_cast %get3A_581 : i32 to index
        %get3A_583 = arith.index_cast %mul3A_580 : i32 to index
        %get3A_584 = tpu.vector_load %arg8[%get3A_582, %get3A_583] {strides = array<i32>} : memref<16x400xf32, #tpu.memory_space<vmem>>, vector<16xf32>,
        %add3A_585 = arith.addf %add3A_578, %get3A_584 : vector<16xf32>
        %mul3A_586 = arith.constant 16 : i32
        %mul3A_587 = arith.muli %scan3A_565, %mul3A_586 : i32
        %get3A_588 = arith.constant 3 : i32
        %get3A_589 = arith.index_cast %get3A_588 : i32 to index
        %get3A_590 = arith.index_cast %mul3A_587 : i32 to index
        %get3A_591 = tpu.vector_load %arg8[%get3A_589, %get3A_590] {strides = array<i32>} : memref<16x400xf32, #tpu.memory_space<vmem>>, vector<16xf32>,
        %add3A_592 = arith.addf %add3A_585, %get3A_591 : vector<16xf32>
        %mul3A_593 = arith.constant 16 : i32
        %mul3A_594 = arith.muli %scan3A_565, %mul3A_593 : i32
        %get3A_595 = arith.constant 4 : i32
        %get3A_596 = arith.index_cast %get3A_595 : i32 to index
        %get3A_597 = arith.index_cast %mul3A_594 : i32 to index
        %get3A_598 = tpu.vector_load %arg8[%get3A_596, %get3A_597] {strides = array<i32>} : memref<16x400xf32, #tpu.memory_space<vmem>>, vector<16xf32>,
        %add3A_599 = arith.addf %add3A_592, %get3A_598 : vector<16xf32>
        %mul3A_600 = arith.constant 16 : i32
        %mul3A_601 = arith.muli %scan3A_565, %mul3A_600 : i32
        %get3A_602 = arith.constant 5 : i32
        %get3A_603 = arith.index_cast %get3A_602 : i32 to index
        %get3A_604 = arith.index_cast %mul3A_601 : i32 to index
        %get3A_605 = tpu.vector_load %arg8[%get3A_603, %get3A_604] {strides = array<i32>} : memref<16x400xf32, #tpu.memory_space<vmem>>, vector<16xf32>,
        %add3A_606 = arith.addf %add3A_599, %get3A_605 : vector<16xf32>
        %mul3A_607 = arith.constant 16 : i32
        %mul3A_608 = arith.muli %scan3A_565, %mul3A_607 : i32
        %get3A_609 = arith.constant 6 : i32
        %get3A_610 = arith.index_cast %get3A_609 : i32 to index
        %get3A_611 = arith.index_cast %mul3A_608 : i32 to index
        %get3A_612 = tpu.vector_load %arg8[%get3A_610, %get3A_611] {strides = array<i32>} : memref<16x400xf32, #tpu.memory_space<vmem>>, vector<16xf32>,
        %add3A_613 = arith.addf %add3A_606, %get3A_612 : vector<16xf32>
        %mul3A_614 = arith.constant 16 : i32
        %mul3A_615 = arith.muli %scan3A_565, %mul3A_614 : i32
        %get3A_616 = arith.constant 7 : i32
        %get3A_617 = arith.index_cast %get3A_616 : i32 to index
        %get3A_618 = arith.index_cast %mul3A_615 : i32 to index
        %get3A_619 = tpu.vector_load %arg8[%get3A_617, %get3A_618] {strides = array<i32>} : memref<16x400xf32, #tpu.memory_space<vmem>>, vector<16xf32>,
        %add3A_620 = arith.addf %add3A_613, %get3A_619 : vector<16xf32>
        %mul3A_621 = arith.constant 16 : i32
        %mul3A_622 = arith.muli %scan3A_565, %mul3A_621 : i32
        %get3A_623 = arith.constant 8 : i32
        %get3A_624 = arith.index_cast %get3A_623 : i32 to index
        %get3A_625 = arith.index_cast %mul3A_622 : i32 to index
        %get3A_626 = tpu.vector_load %arg8[%get3A_624, %get3A_625] {strides = array<i32>} : memref<16x400xf32, #tpu.memory_space<vmem>>, vector<16xf32>,
        %add3A_627 = arith.addf %add3A_620, %get3A_626 : vector<16xf32>
        %mul3A_628 = arith.constant 16 : i32
        %mul3A_629 = arith.muli %scan3A_565, %mul3A_628 : i32
        %get3A_630 = arith.constant 9 : i32
        %get3A_631 = arith.index_cast %get3A_630 : i32 to index
        %get3A_632 = arith.index_cast %mul3A_629 : i32 to index
        %get3A_633 = tpu.vector_load %arg8[%get3A_631, %get3A_632] {strides = array<i32>} : memref<16x400xf32, #tpu.memory_space<vmem>>, vector<16xf32>,
        %add3A_634 = arith.addf %add3A_627, %get3A_633 : vector<16xf32>
        %mul3A_635 = arith.constant 16 : i32
        %mul3A_636 = arith.muli %scan3A_565, %mul3A_635 : i32
        %get3A_637 = arith.constant 10 : i32
        %get3A_638 = arith.index_cast %get3A_637 : i32 to index
        %get3A_639 = arith.index_cast %mul3A_636 : i32 to index
        %get3A_640 = tpu.vector_load %arg8[%get3A_638, %get3A_639] {strides = array<i32>} : memref<16x400xf32, #tpu.memory_space<vmem>>, vector<16xf32>,
        %add3A_641 = arith.addf %add3A_634, %get3A_640 : vector<16xf32>
        %mul3A_642 = arith.constant 16 : i32
        %mul3A_643 = arith.muli %scan3A_565, %mul3A_642 : i32
        %get3A_644 = arith.constant 11 : i32
        %get3A_645 = arith.index_cast %get3A_644 : i32 to index
        %get3A_646 = arith.index_cast %mul3A_643 : i32 to index
        %get3A_647 = tpu.vector_load %arg8[%get3A_645, %get3A_646] {strides = array<i32>} : memref<16x400xf32, #tpu.memory_space<vmem>>, vector<16xf32>,
        %add3A_648 = arith.addf %add3A_641, %get3A_647 : vector<16xf32>
        %mul3A_649 = arith.constant 16 : i32
        %mul3A_650 = arith.muli %scan3A_565, %mul3A_649 : i32
        %get3A_651 = arith.constant 12 : i32
        %get3A_652 = arith.index_cast %get3A_651 : i32 to index
        %get3A_653 = arith.index_cast %mul3A_650 : i32 to index
        %get3A_654 = tpu.vector_load %arg8[%get3A_652, %get3A_653] {strides = array<i32>} : memref<16x400xf32, #tpu.memory_space<vmem>>, vector<16xf32>,
        %add3A_655 = arith.addf %add3A_648, %get3A_654 : vector<16xf32>
        %mul3A_656 = arith.constant 16 : i32
        %mul3A_657 = arith.muli %scan3A_565, %mul3A_656 : i32
        %get3A_658 = arith.constant 13 : i32
        %get3A_659 = arith.index_cast %get3A_658 : i32 to index
        %get3A_660 = arith.index_cast %mul3A_657 : i32 to index
        %get3A_661 = tpu.vector_load %arg8[%get3A_659, %get3A_660] {strides = array<i32>} : memref<16x400xf32, #tpu.memory_space<vmem>>, vector<16xf32>,
        %add3A_662 = arith.addf %add3A_655, %get3A_661 : vector<16xf32>
        %mul3A_663 = arith.constant 16 : i32
        %mul3A_664 = arith.muli %scan3A_565, %mul3A_663 : i32
        %get3A_665 = arith.constant 14 : i32
        %get3A_666 = arith.index_cast %get3A_665 : i32 to index
        %get3A_667 = arith.index_cast %mul3A_664 : i32 to index
        %get3A_668 = tpu.vector_load %arg8[%get3A_666, %get3A_667] {strides = array<i32>} : memref<16x400xf32, #tpu.memory_space<vmem>>, vector<16xf32>,
        %add3A_669 = arith.addf %add3A_662, %get3A_668 : vector<16xf32>
        %mul3A_670 = arith.constant 16 : i32
        %mul3A_671 = arith.muli %scan3A_565, %mul3A_670 : i32
        %get3A_672 = arith.constant 15 : i32
        %get3A_673 = arith.index_cast %get3A_672 : i32 to index
        %get3A_674 = arith.index_cast %mul3A_671 : i32 to index
        %get3A_675 = tpu.vector_load %arg8[%get3A_673, %get3A_674] {strides = array<i32>} : memref<16x400xf32, #tpu.memory_space<vmem>>, vector<16xf32>,
        %add3A_676 = arith.addf %add3A_669, %get3A_675 : vector<16xf32>
        %mul3A_677 = arith.constant 400 : i32
        %mul3A_678 = arith.muli %scan3A_67, %mul3A_677 : i32
        %mul3A_679 = arith.constant 16 : i32
        %mul3A_680 = arith.muli %scan3A_565, %mul3A_679 : i32
        %add3A_681 = arith.addi %mul3A_678, %mul3A_680 : i32
        %swap3A_682 = arith.index_cast %add3A_681 : i32 to index
        %swap3A_683 = tpu.vector_load %arg7[%swap3A_682] {strides = array<i32>} : memref<102400xf32, #tpu.memory_space<vmem>>, vector<16xf32>,
        tpu.vector_store %arg7[%swap3A_682], %add3A_676 {strides = array<i32>} : memref<102400xf32, #tpu.memory_space<vmem>>, vector<16xf32>,
      }
      %scan3A_85 = arith.constant 25 : i32
      %barrier3A_86 = arith.constant 0 : index
      tpu.barrier barrier_id(%barrier3A_86)
    }
    %scan3A_66 = arith.constant 16 : i32
    "tpu.region"() ({
      %run_scoped3A = tpu.sem_alloc : memref<!tpu.dma_semaphore, #tpu.memory_space<semaphore_mem>>
      %dma_start3A_67 = arith.constant 0 : i32
      %dma_start3A_68 = tpu.memref_slice %arg7[%dma_start3A_67] : memref<102400xf32, #tpu.memory_space<vmem>> -> memref<6400xf32, #tpu.memory_space<vmem>>
      %dma_start3A_69 = tpu.memref_slice %arg4[%arg0, %mul3A_58] : memref<2x102400xf32, #tpu.memory_space<hbm>> -> memref<1x6400xf32, #tpu.memory_space<hbm>>
      %dma_start3A_70 = tpu.memref_squeeze %dma_start3A_69 : memref<1x6400xf32, #tpu.memory_space<hbm>> -> memref<6400xf32, #tpu.memory_space<hbm>>
      %dma_start3A_71 = tpu.memref_slice %arg4[%arg0, %mul3A_58] : memref<2x102400xf32, #tpu.memory_space<hbm>> -> memref<1x6400xf32, #tpu.memory_space<hbm>>
      %dma_start3A_72 = tpu.memref_squeeze %dma_start3A_71 : memref<1x6400xf32, #tpu.memory_space<hbm>> -> memref<6400xf32, #tpu.memory_space<hbm>>
      %dma_start3A_73 = arith.constant 0 : i32
      %dma_start3A_74 = tpu.memref_slice %arg7[%dma_start3A_73] : memref<102400xf32, #tpu.memory_space<vmem>> -> memref<6400xf32, #tpu.memory_space<vmem>>
      tpu.enqueue_dma source(%dma_start3A_74 : memref<6400xf32, #tpu.memory_space<vmem>>) target(%dma_start3A_72 : memref<6400xf32, #tpu.memory_space<hbm>>) target_semaphore(%run_scoped3A : memref<!tpu.dma_semaphore, #tpu.memory_space<semaphore_mem>>)
      %dma_wait3A = arith.constant 0 : i32
      %dma_wait3A_75 = tpu.memref_slice %arg7[%dma_wait3A] : memref<102400xf32, #tpu.memory_space<vmem>> -> memref<6400xf32, #tpu.memory_space<vmem>>
      %dma_wait3A_76 = tpu.memref_slice %arg4[%arg0, %mul3A_58] : memref<2x102400xf32, #tpu.memory_space<hbm>> -> memref<1x6400xf32, #tpu.memory_space<hbm>>
      %dma_wait3A_77 = tpu.memref_squeeze %dma_wait3A_76 : memref<1x6400xf32, #tpu.memory_space<hbm>> -> memref<6400xf32, #tpu.memory_space<hbm>>
      %dma_wait3A_78 = tpu.memref_slice %arg4[%arg0, %mul3A_58] : memref<2x102400xf32, #tpu.memory_space<hbm>> -> memref<1x6400xf32, #tpu.memory_space<hbm>>
      %dma_wait3A_79 = tpu.memref_squeeze %dma_wait3A_78 : memref<1x6400xf32, #tpu.memory_space<hbm>> -> memref<6400xf32, #tpu.memory_space<hbm>>
      %dma_wait3A_80 = arith.constant 0 : i32
      %dma_wait3A_81 = tpu.memref_slice %arg7[%dma_wait3A_80] : memref<102400xf32, #tpu.memory_space<vmem>> -> memref<6400xf32, #tpu.memory_space<vmem>>
      tpu.wait_dma2 semaphore(%run_scoped3A : memref<!tpu.dma_semaphore, #tpu.memory_space<semaphore_mem>>) src(%dma_wait3A_81 : memref<6400xf32, #tpu.memory_space<vmem>>) dst(%dma_wait3A_79 : memref<6400xf32, #tpu.memory_space<hbm>>)
      tpu.yield
    }) : () -> ()
    return
  }
}

module attributes {stable_mosaic.version = 14 : i64} {
  func.func @_combine_body(%arg0: memref<2x102400xf32, #tpu.memory_space<vmem>>, %arg1: memref<1x102400xf32, #tpu.memory_space<vmem>>) attributes {dimension_semantics = [], scalar_prefetch = 0 : i64, scratch_operands = 0 : i64, tpu.core_type = #tpu.core_type<tc>} {
    %get3A = arith.constant 0 : index
    %get3A_0 = arith.constant 0 : index
    %get3A_1 = vector.load %arg0[%get3A, %get3A_0] : memref<2x102400xf32, #tpu.memory_space<vmem>>, vector<2x102400xf32>
    %reduce_sum3A = arith.constant dense<0.000000e+00> : vector<102400xf32>
    %reduce_sum3A_2 = vector.multi_reduction <add>, %get3A_1, %reduce_sum3A [0] : vector<2x102400xf32> to vector<102400xf32>
    %broadcast_in_dim3A = vector.shape_cast %reduce_sum3A_2 : vector<102400xf32> to vector<1x102400xf32>
    %swap3A = arith.constant 0 : index
    %swap3A_3 = arith.constant 0 : index
    %swap3A_4 = vector.load %arg1[%swap3A, %swap3A_3] : memref<1x102400xf32, #tpu.memory_space<vmem>>, vector<1x102400xf32>
    tpu.vector_store %arg1[%swap3A, %swap3A_3], %broadcast_in_dim3A {strides = array<i32>} : memref<1x102400xf32, #tpu.memory_space<vmem>>, vector<1x102400xf32>,
    return
  }
}

</mosaic_0001>

<sc_bundles>
// kernel: kernel.4.cloned.1.call-start
scs
__scs_entry_jumppad:
0x0: {  	(pc) =	sbr.rel $0x88, $3  }
0x1: {  	(tag) =	ssettag $0x0;
	lr =	simm.s32 $0x1  }
0x2: {  	[smem:$0x3F9F] =	sst lr;
	_ =	strace $0xD0000000  }
0x3: {  	_ = 	snop  }
0x4: {  	_ = 	snop  }
0x5: {  	_ = 	snop  }
0x6: {  	_ = 	snop  }
0x7: {  	_ = 	snop  }
__scs_overlays_trampoline_lowered:
0x8: {  	[smem:$0x3FAE] =	sst s0  }
0x9: {  	[smem:$0x3FAF] =	sst s1  }
0xa: {  	[smem:$0x3FB0] =	sst s2  }
0xb: {  	[smem:$0x3FB1] =	sst s3  }
0xc: {  	[smem:$0x3FB2] =	sst s4  }
0xd: {  	[smem:$0x3FB3] =	sst s5  }
0xe: {  	[smem:$0x3FB4] =	sst s6  }
0xf: {  	[smem:$0x3FB5] =	sst s7  }
0x10: {  	[smem:$0x3FB6] =	sst s8  }
0x11: {  	[smem:$0x3FB7] =	sst s9;
	s0 =	simm.s32 @!p0 $0x0  }
0x12: {  	s1 =	sld [smem:$0x3F9D];
	s0 =	simm.s32 @p0 $0x1  }
0x13: {  	[smem:$0x3FB8] =	sst s0;
	s0 =	simm.s32 @!p1 $0x0  }
0x14: {  	s2 =	sld [smem:$0x3F9C];
	s0 =	simm.s32 @p1 $0x1  }
0x15: {  	[smem:$0x3FB9] =	sst s0;
	s0 =	simm.s32 @!p2 $0x0  }
0x16: {  	s3 =	sld [smem:$0x3FDB];
	s0 =	simm.s32 @p2 $0x1  }
0x17: {  	s4 =	simm.s32 $0x1BF5;
	[smem:$0x3FBB] =	sst s0  }
0x18: {  	s0 =	sld [smem:$0x3F9E];
	_ =	swait.ge [sflag:s4], $0x0  }
0x19: {  	s7 =	sld [smem:$0x3F9F]  }
0x1a: {  	s8 =	sadd.s32 $0xFFFFE003, lr  }
0x1b: {  	s9 =	sadd.s32 $0xFFFFFEF7, lr;
	s5 =	simm.s32 $0xFFFFFFFF;
	p2 =	slt.u32 s8, $0xFFFFF086  }
0x1c: {  	p1 =	slt.u32 s9, $0xF7A;
	s5 =	simm.s32 @!p2 $0x0  }
0x1d: {  	s5 =	simm.s32 @p1 $0x1;
	p0 =	seq.s32 s7, s2  }
0x1e: {  	s7 =	smul.u32 @!p0 $0xF7A, s2;
	p2 =	seq.s32 @!p0 s5, $0x0  }
0x1f: {  	s9 =	smul.u32 $0xF7A, s1;
	s8 =	simm.s32 @!p0 $0x1BF5;
	p2 =	por !p2, p0  }
0x20: {  	[sflag:s8] =	ssyncset.s32 @!p0 $0xFFFFF086;
	s6 =	sadd.s32 @!p0 s3, s7;
	s7 =	simm.s32 @!p0 $0x108  }
0x21: {  	s3 =	sadd.s32 s3, s9;
	s6 =	sadd.s32 @!p0 $0x88, s6;
	s7 =	simm.s32 @p2 $0x1082  }
0x22: {  	[simem:s7], [sflag:s8] =	dma.local @!p0 [hbm:s6], $0xF7A  }
0x23: {  	s9 =	sor.u32 $0xD0000000, s2;
	s6 =	simm.s32 $0x108;
	_ =	swait.ge @!p0 [sflag:s8], $0x0  }
0x24: {  	s3 =	sadd.s32 $0x88, s3;
	s6 =	simm.s32 @!p1 $0x1082;
	[sflag:s4] =	ssyncset.s32 $0xFFFFF086  }
0x25: {  	[simem:s6], [sflag:s4] =	dma.local [hbm:s3], $0xF7A  }
0x26: {  	[smem:$0x3F9F] =	sst s1;
	(tag) =	ssettag s2;
	_ =	strace s9  }
0x27: {  	s1 =	sld [smem:$0x3FAF]  }
0x28: {  	s2 =	sld [smem:$0x3FB0]  }
0x29: {  	s4 =	sld [smem:$0x3FB2]  }
0x2a: {  	p0 =	seq.s32 s5, $0x0;
	s5 =	sld [smem:$0x3FB3]  }
0x2b: {  	s6 =	sld [smem:$0x3FB4]  }
0x2c: {  	s7 =	sld [smem:$0x3FB5]  }
0x2d: {  	s3 =	simm.s32 $0x108;
	s8 =	sld [smem:$0x3FB6]  }
0x2e: {  	s3 =	simm.s32 @!p0 $0x1082;
	s9 =	sld [smem:$0x3FB7]  }
0x2f: {  	lr =	sadd.s32 s0, s3;
	s0 =	sld [smem:$0x3FAE]  }
0x30: {  	s3 =	sld [smem:$0x3FB1]  }
0x31: {  	[smem:$0x3FBA] =	sst s10  }
0x32: {  	s10 =	sld [smem:$0x3FB8];
	_ =	sdelay $0x3  }
0x33: {  	p0 =	seq.s32 s10, $0x1;
	s10 =	sld [smem:$0x3FBA];
	_ =	sdelay $0x3  }
0x34: {  	[smem:$0x3FBA] =	sst s10  }
0x35: {  	s10 =	sld [smem:$0x3FB9];
	_ =	sdelay $0x3  }
0x36: {  	p1 =	seq.s32 s10, $0x1;
	s10 =	sld [smem:$0x3FBA];
	_ =	sdelay $0x3  }
0x37: {  	[smem:$0x3FBA] =	sst s10  }
0x38: {  	s10 =	sld [smem:$0x3FBB]  }
0x39: {  	_ = 	snop;
	(pc) =	sbr.ind lr, $3  }
0x3a: {  	_ = 	snop  }
0x3b: {  	_ = 	snop  }
0x3c: {  	p2 =	seq.s32 s10, $0x1;
	s10 =	sld [smem:$0x3FBA]  }
0x3d: {  	_ =	shalt  }
0x3e: {  	_ =	shalt  }
0x3f: {  	_ =	shalt  }
0x40: {  	_ =	shalt  }
0x41: {  	_ =	shalt  }
0x42: {  	_ =	shalt  }
0x43: {  	_ =	shalt  }
0x44: {  	_ =	shalt  }
0x45: {  	_ =	shalt  }
0x46: {  	_ =	shalt  }
0x47: {  	_ =	shalt  }
0x48: {  	_ =	shalt  }
0x49: {  	_ =	shalt  }
0x4a: {  	_ =	shalt  }
0x4b: {  	_ =	shalt  }
0x4c: {  	_ =	shalt  }
0x4d: {  	_ =	shalt  }
0x4e: {  	_ =	shalt  }
0x4f: {  	_ =	shalt  }
0x50: {  	_ =	shalt  }
0x51: {  	_ =	shalt  }
0x52: {  	_ =	shalt  }
0x53: {  	_ =	shalt  }
0x54: {  	_ =	shalt  }
0x55: {  	_ =	shalt  }
0x56: {  	_ =	shalt  }
0x57: {  	_ =	shalt  }
0x58: {  	_ =	shalt  }
0x59: {  	_ =	shalt  }
0x5a: {  	_ =	shalt  }
0x5b: {  	_ =	shalt  }
0x5c: {  	_ =	shalt  }
0x5d: {  	_ =	shalt  }
0x5e: {  	_ =	shalt  }
0x5f: {  	_ =	shalt  }
0x60: {  	_ =	shalt  }
0x61: {  	_ =	shalt  }
0x62: {  	_ =	shalt  }
0x63: {  	_ =	shalt  }
0x64: {  	_ =	shalt  }
0x65: {  	_ =	shalt  }
0x66: {  	_ =	shalt  }
0x67: {  	_ =	shalt  }
0x68: {  	_ =	shalt  }
0x69: {  	_ =	shalt  }
0x6a: {  	_ =	shalt  }
0x6b: {  	_ =	shalt  }
0x6c: {  	_ =	shalt  }
0x6d: {  	_ =	shalt  }
0x6e: {  	_ =	shalt  }
0x6f: {  	_ =	shalt  }
0x70: {  	_ =	shalt  }
0x71: {  	_ =	shalt  }
0x72: {  	_ =	shalt  }
0x73: {  	_ =	shalt  }
0x74: {  	_ =	shalt  }
0x75: {  	_ =	shalt  }
0x76: {  	_ =	shalt  }
0x77: {  	_ =	shalt  }
0x78: {  	_ =	shalt  }
0x79: {  	_ =	shalt  }
0x7a: {  	_ =	shalt  }
0x7b: {  	_ =	shalt  }
0x7c: {  	_ =	shalt  }
0x7d: {  	_ =	shalt  }
0x7e: {  	_ =	shalt  }
0x7f: {  	_ =	shalt  }
0x80: {  	_ =	shalt  }
0x81: {  	_ =	shalt  }
0x82: {  	_ =	shalt  }
0x83: {  	_ =	shalt  }
0x84: {  	_ =	shalt  }
0x85: {  	_ =	shalt  }
0x86: {  	_ =	shalt  }
0x87: {  	_ =	shalt  }
.Lfunc_end0:
.L_simem_size_0:
called_computation_lowered:
.L_overlay_start_0:
0x88: {  	s2 =	sld [smem:$0x3FD9]  }
0x89: {  	s3 =	sld [smem:$0x3FFE];
	_ =	sdelay $0x1  }
0x8a: {  	s1 =	srdreg.scid  }
0x8b: {  	s0 =	sand.u32 $0x1, s1  }
0x8c: {  	s17 =	sshll.u32 s0, $0xA;
	s2 =	sadd.s32 s3, s2  }
0x8d: {  	s2 =	sadd.s32 s2, s17  }
0x8e: {  	[smem:$0x3FC6] =	sst s2  }
0x8f: {  	_ = 	snop  }
0x90: {  	s2 =	sld [smem:$0x3FC9]  }
0x91: {  	s18 =	sld [smem:$0x3FC8];
	(tm) =	ssettm $0x1  }
0x92: {  	s4 =	sld [smem:$0x3FFB];
	_ =	sdelay $0x3  }
0x93: {  	_ =	strace s4  }
0x94: {  	s4 =	sld [smem:$0x3FFC];
	_ =	sdelay $0x3  }
0x95: {  	_ =	strace s4  }
0x96: {  	s4 =	sld [smem:$0x3FFD];
	_ =	sdelay $0x3  }
0x97: {  	_ =	strace s4  }
0x98: {  	_ =	strace $0x8FFFFFFF  }
0x99: {  	s19 =	sld [smem:$0x3FDB];
	_ =	sdelay $0x1  }
0x9a: {  	s5 =	simm.s32 $_scs_section_size  }
0x9b: {  	s6 =	simm.s32 $_size__tile_overlayer_lowered;
	s7 =	simm.s32 $_tile_overlayer_lowered  }
0x9c: {  	s22 =	simm.s32 $0x1BFF;
	s21 =	sshll.u32 s7, $0x1;
	s4 =	sadd.s32 s5, s19  }
0x9d: {  	s8 =	simm.s32 $0x0;
	s20 =	sshll.u32 s6, $0x1;
	s6 =	sadd.s32 s21, s4  }
0x9e: {  	[timem:s8], [sflag:s22] =	dma.local [hbm:s6], s20  }
0x9f: {  	_ =	swait.ge [sflag:s22], s20  }
0xa0: {  	s5 =	ssub.s32 $0x0, s20;
	[sflag:s22] =	ssyncset.done $0x0  }
0xa1: {  	[sflag:s22] =	ssyncadd.s32 s5;
	_ =	sdelay $0x1  }
0xa2: {  	s23 =	simm.s32 $0x1B8B  }
0xa3: {  	_ =	swait.ge [sflag:s23], $0x1  }
0xa4: {  	[sflag:s23] =	ssyncset.done $0x0  }
0xa5: {  	s25 =	simm.s32 $0x1B8E;
	s24 =	sld [smem:$0x3FFE];
	[sflag:s23] =	ssyncadd.s32 $0xFFFFFFFF  }
0xa6: {  	s26 =	simm.s32 $execute0_lowered;
	[smem:$0x3FD2] =	sst s25  }
0xa7: {  	s6 =	sshll.u32 s26, $0x1;
	_ =	strace $0x80000046;
	[dreg:$0x1] =	wrdreg $0xFFFFFFFF  }
0xa8: {  	s28 =	simm.s32 $_size_execute0_lowered;
	s4 =	sadd.s32 s4, s6;
	[dreg:$0x0] =	wrdreg $0x0  }
0xa9: {  	s6 =	sshll.u32 s28, $0x1;
	[dreg:$0x2] =	wrdreg s4  }
0xaa: {  	[dreg:$0x3] =	wrdreg s6  }
0xab: {  	[dreg:$0x4] =	wrdreg $0xC0  }
0xac: {  	_ =	task [dreg:s8], $0x5FFFF  }
0xad: {  	[dreg:$0x1] =	wrdreg $0xFFFFFFFF  }
0xae: {  	[dreg:$0x0] =	wrdreg $0x60  }
0xaf: {  	[dreg:$0x2] =	wrdreg s2  }
0xb0: {  	[dreg:$0x3] =	wrdreg s18  }
0xb1: {  	[dreg:$0x4] =	wrdreg s24  }
0xb2: {  	[dreg:$0x5] =	wrdreg $0x1C8400  }
0xb3: {  	[dreg:$0x6] =	wrdreg $0x9  }
0xb4: {  	_ =	task.clear_ibuf [dreg:s8], $0x7FFFF;
	_ =	strace $0x90000046  }
0xb5: {  	s29 =	simm.s32 $0x9;
	_ =	strace $0x80000048  }
0xb6: {  	_ =	swait.ge [sflag:s29], $0x1  }
0xb7: {  	[sflag:s29] =	ssyncadd.s32 $0xFFFFFFFF  }
0xb8: {  	_ =	strace $0x90000048  }
0xb9: {  	_ =	sfence  }
0xba: {  	s30 =	sld [smem:$0x0];
	_ =	sdelay $0x2  }
0xbb: {  	s31 =	sshll.u32 s1, $0xD;
	s1 =	sshrl.u32 s1, $0x2  }
0xbc: {  	s3 =	sand.u32 $0x4000, s31;
	s1 =	sadd.s32 s1, s30  }
0xbd: {  	s0 =	sor.u32 s3, s0;
	s1 =	sshll.u32 s1, $0x11  }
0xbe: {  	s0 =	sor.u32 s1, s0  }
0xbf: {  	s0 =	sadd.s32 $0x8F2B, s0  }
0xc0: {  	[sflag:s0] =	ssyncadd.remote.s32 $0x1  }
0xc1: {  	_ =	sfence.sel $0xFFFF  }
0xc2: {  	[dreg:$0x0] =	wrdreg $0xFFFFFFFF;
	(pc) =	sbr.abs _section_cstart, $3  }
0xc3: {  	[dreg:$0x1] =	wrdreg $0xFFFFFFFF  }
0xc4: {  	_ =	task.clear_ibuf [dreg:s8], $0x2FFFF;
	_ =	strace $0x9FFFFFFF  }
0xc5: {  	(tm) =	ssettm $0x7FFFFFFF  }
tec
execute0_lowered:
.L_overlay_start_1:
0x0: {  	(tag) =	ssettag $0x1  }
0x1: {  	s13 =	rddreg [dreg:$0x0]  }
0x2: {  	s9 =	rddreg [dreg:$0x1];
	s0 =	srdreg.scid  }
0x3: {  	s8 =	stileid.u32;
	s1 =	rddreg [dreg:$0x2]  }
0x4: {  	s3 =	rddreg [dreg:$0x3];
	s4 =	simm.s32 $0x0;
	s31 =	simm.s32 $0xFA0  }
0x5: {  	s14 =	simm.s32 $0x4;
	s0 =	sand.u32 $0x1, s0;
	s2 =	smul.u32 $0x1900, s8  }
0x6: {  	[smem:$0x7FF] =	sst s4;
	s5 =	smul.u32 $0x19000, s0;
	s6 =	sshll.u32 s0, $0x4  }
0x7: {  	_ =	strace $0x80000047;
	s0 =	ssub.s32 $0x2, s0;
	s6 =	sor.u32 s8, s6  }
0x8: {  	s22 =	sshrl.u32 s0, $0x1;
	s8 =	smul.u32 $0x640, s8;
	s5 =	sadd.s32 s2, s5  }
0x9: {  	s6 =	smul.u32 $0x30D40, s6;
	s0 =	ssub.s32 s0, s22;
	s2 =	sadd.s32 s2, s3  }
0xa: {  	s5 =	sshrl.u32 s5, $0x3;
	s26 =	sshrl.u32 s8, $0x2;
	[dreg:$0xb] =	wrdreg s2  }
0xb: {  	s0 =	smax.u32 s0, $0x1;
	s8 =	simm.s32 $0x3;
	s2 =	simm.s32 $0x0  }
0xc: {  	s1 =	sadd.s32 s5, s1;
	s7 =	sshrl.u32 s6, $0x3;
	s25 =	sadd.s32 $0xFA0, s6  }
0xd: {  	s6 =	sadd.s32 $0x1770, s6;
	s11 =	sadd.s32 s26, s3;
	[dreg:$0xd] =	wrdreg s0  }
0xe: {  	s3 =	simm.s32 $0x7D0;
	s0 =	simm.s32 $0x1770;
	s23 =	sadd.s32 $0xFA, s7  }
0xf: {  	s10 =	sadd.s32 s9, s7;
	s7 =	sadd.s32 s13, s7;
	[dreg:$0x9] =	wrdreg s25  }
0x10: {  	[dreg:$0xa] =	wrdreg s6;
	s1 =	sadd.s32 $0x400, s1;
	s15 =	sadd.s32 $0x1900, s11  }
0x11: {  	s16 =	sadd.s32 $0x3200, s11;
	s17 =	sadd.s32 $0x4B00, s11;
	s18 =	sadd.s32 $0x6400, s11  }
0x12: {  	s19 =	sadd.s32 $0x7D00, s11;
	s20 =	sadd.s32 $0x9600, s11;
	s21 =	sadd.s32 $0xAF00, s11  }
0x13: {  	s22 =	sadd.s32 $0xC800, s11;
	s25 =	sadd.s32 $0x11300, s11;
	s26 =	sadd.s32 $0x12C00, s11  }
0x14: {  	s28 =	sadd.s32 $0x14500, s11;
	s29 =	sadd.s32 $0x15E00, s11;
	[dreg:$0x5] =	wrdreg s10  }
0x15: {  	s30 =	sadd.s32 $0x17700, s11;
	s6 =	simm.s32 $0x2;
	[dreg:$0x6] =	wrdreg s7  }
0x16: {  	s24 =	sadd.s32 s9, s23;
	s5 =	sadd.s32 s13, s23;
	[dreg:$0xc] =	wrdreg s1  }
0x17: {  	v1 =	vlaneseq.u32;
	s23 =	sadd.s32 $0xE100, s11;
	s7 =	simm.s32 $0x1F40;
	[dreg:$0x7] =	wrdreg s24  }
0x18: {  	v0 =	vimm.f32 $0.0e+00;
	v1 =	vmul.u32 $0x7D, v1;
	[dreg:$0x8] =	wrdreg s5;
	s24 =	sadd.s32 $0xFA00, s11;
	s5 =	simm.s32 $0x1  }
.LBB2_1:
0x19: {  	s1 =	simm.s32 $0x1F80  }
0x1a: {  	[tilespmem:s1+$0xFFFFFFC0] =	vst v0  }
0x1b: {  	[tilespmem:s1+$0x30] =	vst v0  }
0x1c: {  	[tilespmem:s1+$0x20] =	vst v0  }
0x1d: {  	[tilespmem:s1+$0x10] =	vst v0  }
0x1e: {  	[tilespmem:s1+$0x0] =	vst v0  }
0x1f: {  	[tilespmem:s1+$0xFFFFFFF0] =	vst v0  }
0x20: {  	[dreg:$0xe] =	wrdreg s2;
	s2 =	simm.s32 $0x0;
	[tilespmem:s1+$0xFFFFFFE0] =	vst v0  }
.LBB2_2:
0x21: {  	s2 =	sadd.s32 $0x8, s2;
	[tilespmem:s1+$0xFFFFFFD0] =	vst v0;
	s1 =	sadd.s32 $0x80, s1  }
0x22: {  	[tilespmem:s1+$0xFFFFFFC0] =	vst v0;
	p0 =	slt.u32 s2, $0x18F8  }
0x23: {  	[tilespmem:s1+$0x30] =	vst v0  }
.Ltmp0:
0x24: {  	[tilespmem:s1+$0x20] =	vst v0;
	(pc) =	sbr.rel @p0 .LBB2_2-.Ltmp0, $4  }
0x25: {  	[tilespmem:s1+$0x10] =	vst v0  }
0x26: {  	[tilespmem:s1+$0x0] =	vst v0  }
0x27: {  	[tilespmem:s1+$0xFFFFFFF0] =	vst v0  }
0x28: {  	[tilespmem:s1+$0xFFFFFFE0] =	vst v0  }
0x29: {  	[tilespmem:s1+$0xFFFFFFD0] =	vst v0;
	s1 =	simm.s32 $0x0;
	s2 =	rddreg [dreg:$0x5]  }
0x2a: {  	[tilespmem:s1], [sflag:$0x1] =	stream.linear.gather [hbm4b:s2+s1], $0x7D0, $0x38;
	[tilespmem:$0x1E140] =	vst v63  }
0x2b: {  	s9 =	rddreg [dreg:$0x6]  }
0x2c: {  	[tilespmem:s31], [sflag:$0x2] =	stream.linear.gather [hbm4b:s9+s1], $0x7D0, $0x38;
	[tilespmem:$0x1E140] =	vst v63  }
0x2d: {  	s10 =	rddreg [dreg:$0x7]  }
0x2e: {  	[tilespmem:s3], [sflag:$0x1] =	stream.linear.gather [hbm4b:s10+s1], $0x7D0, $0x38;
	[tilespmem:$0x1E140] =	vst v63  }
0x2f: {  	s12 =	rddreg [dreg:$0x8];
	s2 =	simm.s32 $0x0  }
0x30: {  	[tilespmem:s0], [sflag:$0x2] =	stream.linear.gather [hbm4b:s12+s1], $0x7D0, $0x38;
	[tilespmem:$0x1E140] =	vst v63  }
.LBB2_4:
0x31: {  	_ =	swait.ge [sflag:s5], $0x7D0  }
0x32: {  	v2 =	vadd.s32 s1, v1;
	[sflag:s5] =	ssyncset.done $0x0  }
0x33: {  	[sflag:s5] =	ssyncadd.s32 $0xFFFFF830  }
0x34: {  	_ =	swait.ge [sflag:s6], $0x7D0  }
0x35: {  	[sflag:s6] =	ssyncset.done $0x0  }
0x36: {  	[sflag:s6] =	ssyncadd.s32 $0xFFFFF830  }
0x37: {  	v3 =	vld.idx.msk [tilespmem:v2+s4+$0x0], $0xffff;
	_ =	sdelay $0x2  }
0x38: {  	s9 =	simm.s32 $0x1;
	v2 =	vld.idx.msk [tilespmem:v2+s31+$0x0], $0xffff  }
0x39: {  	v4 =	vadd.s32 s9, v1;
	_ =	sdelay $0x3  }
0x3a: {  	[tilespmem:v3+s7+$0x0] =	vst.idx.add.f32.msk $0xffff, v2  }
0x3b: {  	v2 =	vld.idx.msk [tilespmem:v4+s4+$0x0], $0xffff;
	_ =	sdelay $0x2  }
0x3c: {  	s12 =	simm.s32 $0x2;
	v3 =	vld.idx.msk [tilespmem:v4+s31+$0x0], $0xffff  }
0x3d: {  	v4 =	vadd.s32 s12, v1;
	_ =	sdelay $0x3  }
0x3e: {  	[tilespmem:v2+s7+$0x0] =	vst.idx.add.f32.msk $0xffff, v3  }
0x3f: {  	v2 =	vld.idx.msk [tilespmem:v4+s4+$0x0], $0xffff;
	_ =	sdelay $0x2  }
0x40: {  	s10 =	simm.s32 $0x3;
	v3 =	vld.idx.msk [tilespmem:v4+s31+$0x0], $0xffff  }
0x41: {  	v4 =	vadd.s32 s10, v1;
	_ =	sdelay $0x3  }
0x42: {  	[tilespmem:v2+s7+$0x0] =	vst.idx.add.f32.msk $0xffff, v3  }
0x43: {  	v2 =	vld.idx.msk [tilespmem:v4+s4+$0x0], $0xffff;
	_ =	sdelay $0x2  }
0x44: {  	s12 =	simm.s32 $0x4;
	v3 =	vld.idx.msk [tilespmem:v4+s31+$0x0], $0xffff  }
0x45: {  	v4 =	vadd.s32 s12, v1;
	_ =	sdelay $0x3  }
0x46: {  	[tilespmem:v2+s7+$0x0] =	vst.idx.add.f32.msk $0xffff, v3  }
0x47: {  	v2 =	vld.idx.msk [tilespmem:v4+s4+$0x0], $0xffff;
	_ =	sdelay $0x2  }
0x48: {  	s9 =	simm.s32 $0x5;
	v4 =	vld.idx.msk [tilespmem:v4+s31+$0x0], $0xffff  }
0x49: {  	s10 =	simm.s32 $0xA;
	v3 =	vadd.s32 s9, v1  }
.LBB2_5:
0x4a: {  	p0 =	sne.s32 s10, $0x78;
	_ =	sdelay $0x2  }
0x4b: {  	[tilespmem:v2+s7+$0x0] =	vst.idx.add.f32.msk $0xffff, v4  }
0x4c: {  	v2 =	vld.idx.msk [tilespmem:v3+s4+$0x0], $0xffff  }
0x4d: {  	v3 =	vld.idx.msk [tilespmem:v3+s31+$0x0], $0xffff;
	_ =	sdelay $0x1  }
0x4e: {  	s12 =	sadd.s32 $0x1, s9  }
0x4f: {  	v4 =	vadd.s32 s12, v1;
	_ =	sdelay $0x3  }
0x50: {  	[tilespmem:v2+s7+$0x0] =	vst.idx.add.f32.msk $0xffff, v3  }
0x51: {  	v2 =	vld.idx.msk [tilespmem:v4+s4+$0x0], $0xffff;
	_ =	sdelay $0x1  }
0x52: {  	v3 =	vld.idx.msk [tilespmem:v4+s31+$0x0], $0xffff  }
0x53: {  	s12 =	sadd.s32 $0x2, s9  }
0x54: {  	v4 =	vadd.s32 s12, v1;
	_ =	sdelay $0x3  }
0x55: {  	[tilespmem:v2+s7+$0x0] =	vst.idx.add.f32.msk $0xffff, v3  }
0x56: {  	v2 =	vld.idx.msk [tilespmem:v4+s4+$0x0], $0xffff;
	_ =	sdelay $0x1  }
0x57: {  	v3 =	vld.idx.msk [tilespmem:v4+s31+$0x0], $0xffff  }
0x58: {  	s12 =	sadd.s32 $0x3, s9  }
0x59: {  	v4 =	vadd.s32 s12, v1;
	_ =	sdelay $0x3  }
0x5a: {  	[tilespmem:v2+s7+$0x0] =	vst.idx.add.f32.msk $0xffff, v3  }
0x5b: {  	v2 =	vld.idx.msk [tilespmem:v4+s4+$0x0], $0xffff;
	_ =	sdelay $0x1  }
0x5c: {  	v3 =	vld.idx.msk [tilespmem:v4+s31+$0x0], $0xffff  }
0x5d: {  	s12 =	sadd.s32 $0x4, s9;
	s9 =	smov.u32 s10  }
0x5e: {  	v4 =	vadd.s32 s12, v1;
	_ =	sdelay $0x3  }
0x5f: {  	[tilespmem:v2+s7+$0x0] =	vst.idx.add.f32.msk $0xffff, v3  }
.Ltmp1:
0x60: {  	v2 =	vld.idx.msk [tilespmem:v4+s4+$0x0], $0xffff;
	(pc) =	sbr.rel @p0 .LBB2_5-.Ltmp1, $2  }
0x61: {  	v4 =	vld.idx.msk [tilespmem:v4+s31+$0x0], $0xffff;
	_ =	sdelay $0x2  }
0x62: {  	s10 =	sadd.s32 $0x5, s10;
	v3 =	vadd.s32 s9, v1  }
0x63: {  	_ =	sdelay $0x3  }
0x64: {  	[tilespmem:v2+s7+$0x0] =	vst.idx.add.f32.msk $0xffff, v4  }
0x65: {  	v2 =	vld.idx.msk [tilespmem:v3+s4+$0x0], $0xffff;
	_ =	sdelay $0x2  }
0x66: {  	s10 =	sadd.s32 $0x1, s9;
	v3 =	vld.idx.msk [tilespmem:v3+s31+$0x0], $0xffff  }
0x67: {  	v4 =	vadd.s32 s10, v1;
	_ =	sdelay $0x3  }
0x68: {  	[tilespmem:v2+s7+$0x0] =	vst.idx.add.f32.msk $0xffff, v3  }
0x69: {  	v2 =	vld.idx.msk [tilespmem:v4+s4+$0x0], $0xffff;
	_ =	sdelay $0x2  }
0x6a: {  	s12 =	sadd.s32 $0x2, s9;
	v3 =	vld.idx.msk [tilespmem:v4+s31+$0x0], $0xffff  }
0x6b: {  	v4 =	vadd.s32 s12, v1;
	_ =	sdelay $0x3  }
0x6c: {  	[tilespmem:v2+s7+$0x0] =	vst.idx.add.f32.msk $0xffff, v3  }
0x6d: {  	v2 =	vld.idx.msk [tilespmem:v4+s4+$0x0], $0xffff;
	_ =	sdelay $0x2  }
0x6e: {  	s12 =	sadd.s32 $0x3, s9;
	v3 =	vld.idx.msk [tilespmem:v4+s31+$0x0], $0xffff  }
0x6f: {  	v4 =	vadd.s32 s12, v1;
	_ =	sdelay $0x3  }
0x70: {  	[tilespmem:v2+s7+$0x0] =	vst.idx.add.f32.msk $0xffff, v3  }
0x71: {  	v2 =	vld.idx.msk [tilespmem:v4+s4+$0x0], $0xffff;
	_ =	sdelay $0x2  }
0x72: {  	s10 =	sadd.s32 $0x4, s9;
	v3 =	vld.idx.msk [tilespmem:v4+s31+$0x0], $0xffff  }
0x73: {  	v4 =	vadd.s32 s10, v1;
	_ =	sdelay $0x3  }
0x74: {  	[tilespmem:v2+s7+$0x0] =	vst.idx.add.f32.msk $0xffff, v3  }
0x75: {  	v2 =	vld.idx.msk [tilespmem:v4+s4+$0x0], $0xffff;
	_ =	sdelay $0x2  }
0x76: {  	p0 =	seq.s32 s2, $0x31;
	v3 =	vld.idx.msk [tilespmem:v4+s31+$0x0], $0xffff  }
0x77: {  	s9 =	smul.u32 @!p0 $0xFA0, s2  }
0x78: {  	s10 =	rddreg [dreg:$0x9]  }
0x79: {  	s9 =	sadd.s32 @!p0 s9, s10  }
0x7a: {  	s10 =	rddreg [dreg:$0x1];
	s9 =	sshrl.u32 @!p0 s9, $0x3  }
0x7b: {  	s12 =	simm.s32 @!p0 $0x0;
	s10 =	sadd.s32 @!p0 s10, s9;
	[tilespmem:v2+s7+$0x0] =	vst.idx.add.f32.msk $0xffff, v3  }
0x7c: {  	[tilespmem:s12], [sflag:$0x1] =	stream.linear.gather @!p0 [hbm4b:s10+s12], $0x7D0, $0x38;
	[tilespmem:$0x1E140] =	vst v63  }
0x7d: {  	s9 =	sadd.s32 @!p0 s13, s9;
	s10 =	simm.s32 @!p0 $0xFA0  }
0x7e: {  	[tilespmem:s10], [sflag:$0x2] =	stream.linear.gather @!p0 [hbm4b:s9+s12], $0x7D0, $0x38;
	[tilespmem:$0x1E140] =	vst v63  }
0x7f: {  	s12 =	simm.s32 $0x0;
	_ =	swait.ge [sflag:s5], $0x7D0  }
0x80: {  	v2 =	vadd.s32 s12, v1;
	[sflag:s5] =	ssyncset.done $0x0  }
0x81: {  	[sflag:s5] =	ssyncadd.s32 $0xFFFFF830  }
0x82: {  	_ =	swait.ge [sflag:s6], $0x7D0  }
0x83: {  	[sflag:s6] =	ssyncset.done $0x0  }
0x84: {  	[sflag:s6] =	ssyncadd.s32 $0xFFFFF830  }
0x85: {  	v3 =	vld.idx.msk [tilespmem:v2+s3+$0x0], $0xffff;
	_ =	sdelay $0x2  }
0x86: {  	s10 =	simm.s32 $0x1;
	v2 =	vld.idx.msk [tilespmem:v2+s0+$0x0], $0xffff  }
0x87: {  	v4 =	vadd.s32 s10, v1;
	_ =	sdelay $0x3  }
0x88: {  	[tilespmem:v3+s7+$0x0] =	vst.idx.add.f32.msk $0xffff, v2  }
0x89: {  	v2 =	vld.idx.msk [tilespmem:v4+s3+$0x0], $0xffff;
	_ =	sdelay $0x2  }
0x8a: {  	s12 =	simm.s32 $0x2;
	v3 =	vld.idx.msk [tilespmem:v4+s0+$0x0], $0xffff  }
0x8b: {  	v4 =	vadd.s32 s12, v1;
	_ =	sdelay $0x3  }
0x8c: {  	[tilespmem:v2+s7+$0x0] =	vst.idx.add.f32.msk $0xffff, v3  }
0x8d: {  	v2 =	vld.idx.msk [tilespmem:v4+s3+$0x0], $0xffff;
	_ =	sdelay $0x2  }
0x8e: {  	s10 =	simm.s32 $0x3;
	v3 =	vld.idx.msk [tilespmem:v4+s0+$0x0], $0xffff  }
0x8f: {  	v4 =	vadd.s32 s10, v1;
	_ =	sdelay $0x3  }
0x90: {  	[tilespmem:v2+s7+$0x0] =	vst.idx.add.f32.msk $0xffff, v3  }
0x91: {  	v2 =	vld.idx.msk [tilespmem:v4+s3+$0x0], $0xffff;
	_ =	sdelay $0x2  }
0x92: {  	s12 =	simm.s32 $0x4;
	v3 =	vld.idx.msk [tilespmem:v4+s0+$0x0], $0xffff  }
0x93: {  	v4 =	vadd.s32 s12, v1;
	_ =	sdelay $0x3  }
0x94: {  	[tilespmem:v2+s7+$0x0] =	vst.idx.add.f32.msk $0xffff, v3  }
0x95: {  	v2 =	vld.idx.msk [tilespmem:v4+s3+$0x0], $0xffff;
	_ =	sdelay $0x2  }
0x96: {  	s9 =	simm.s32 $0x5;
	v4 =	vld.idx.msk [tilespmem:v4+s0+$0x0], $0xffff  }
0x97: {  	s10 =	simm.s32 $0xA;
	v3 =	vadd.s32 s9, v1  }
.LBB2_7:
0x98: {  	p1 =	sne.s32 s10, $0x78;
	_ =	sdelay $0x2  }
0x99: {  	[tilespmem:v2+s7+$0x0] =	vst.idx.add.f32.msk $0xffff, v4  }
0x9a: {  	v2 =	vld.idx.msk [tilespmem:v3+s3+$0x0], $0xffff  }
0x9b: {  	v3 =	vld.idx.msk [tilespmem:v3+s0+$0x0], $0xffff;
	_ =	sdelay $0x1  }
0x9c: {  	s12 =	sadd.s32 $0x1, s9  }
0x9d: {  	v4 =	vadd.s32 s12, v1;
	_ =	sdelay $0x3  }
0x9e: {  	[tilespmem:v2+s7+$0x0] =	vst.idx.add.f32.msk $0xffff, v3  }
0x9f: {  	v2 =	vld.idx.msk [tilespmem:v4+s3+$0x0], $0xffff;
	_ =	sdelay $0x1  }
0xa0: {  	v3 =	vld.idx.msk [tilespmem:v4+s0+$0x0], $0xffff  }
0xa1: {  	s12 =	sadd.s32 $0x2, s9  }
0xa2: {  	v4 =	vadd.s32 s12, v1;
	_ =	sdelay $0x3  }
0xa3: {  	[tilespmem:v2+s7+$0x0] =	vst.idx.add.f32.msk $0xffff, v3  }
0xa4: {  	v2 =	vld.idx.msk [tilespmem:v4+s3+$0x0], $0xffff;
	_ =	sdelay $0x1  }
0xa5: {  	v3 =	vld.idx.msk [tilespmem:v4+s0+$0x0], $0xffff  }
0xa6: {  	s12 =	sadd.s32 $0x3, s9  }
0xa7: {  	v4 =	vadd.s32 s12, v1;
	_ =	sdelay $0x3  }
0xa8: {  	[tilespmem:v2+s7+$0x0] =	vst.idx.add.f32.msk $0xffff, v3  }
0xa9: {  	v2 =	vld.idx.msk [tilespmem:v4+s3+$0x0], $0xffff;
	_ =	sdelay $0x1  }
0xaa: {  	v3 =	vld.idx.msk [tilespmem:v4+s0+$0x0], $0xffff  }
0xab: {  	s12 =	sadd.s32 $0x4, s9;
	s9 =	smov.u32 s10  }
0xac: {  	v4 =	vadd.s32 s12, v1;
	_ =	sdelay $0x3  }
0xad: {  	[tilespmem:v2+s7+$0x0] =	vst.idx.add.f32.msk $0xffff, v3  }
.Ltmp2:
0xae: {  	v2 =	vld.idx.msk [tilespmem:v4+s3+$0x0], $0xffff;
	(pc) =	sbr.rel @p1 .LBB2_7-.Ltmp2, $2  }
0xaf: {  	v4 =	vld.idx.msk [tilespmem:v4+s0+$0x0], $0xffff;
	_ =	sdelay $0x2  }
0xb0: {  	s10 =	sadd.s32 $0x5, s10;
	v3 =	vadd.s32 s9, v1  }
0xb1: {  	_ =	sdelay $0x3  }
0xb2: {  	[tilespmem:v2+s7+$0x0] =	vst.idx.add.f32.msk $0xffff, v4  }
0xb3: {  	v2 =	vld.idx.msk [tilespmem:v3+s3+$0x0], $0xffff;
	_ =	sdelay $0x2  }
0xb4: {  	s10 =	sadd.s32 $0x1, s9;
	v3 =	vld.idx.msk [tilespmem:v3+s0+$0x0], $0xffff  }
0xb5: {  	v60 =	vadd.s32 s10, v1;
	_ =	sdelay $0x3  }
0xb6: {  	[tilespmem:v2+s7+$0x0] =	vst.idx.add.f32.msk $0xffff, v3  }
0xb7: {  	v2 =	vld.idx.msk [tilespmem:v60+s3+$0x0], $0xffff;
	_ =	sdelay $0x2  }
0xb8: {  	s12 =	sadd.s32 $0x2, s9;
	v3 =	vld.idx.msk [tilespmem:v60+s0+$0x0], $0xffff  }
0xb9: {  	v61 =	vadd.s32 s12, v1;
	_ =	sdelay $0x3  }
0xba: {  	[tilespmem:v2+s7+$0x0] =	vst.idx.add.f32.msk $0xffff, v3  }
0xbb: {  	v2 =	vld.idx.msk [tilespmem:v61+s3+$0x0], $0xffff;
	_ =	sdelay $0x2  }
0xbc: {  	s12 =	sadd.s32 $0x3, s9;
	v3 =	vld.idx.msk [tilespmem:v61+s0+$0x0], $0xffff  }
0xbd: {  	v62 =	vadd.s32 s12, v1;
	_ =	sdelay $0x3  }
0xbe: {  	[tilespmem:v2+s7+$0x0] =	vst.idx.add.f32.msk $0xffff, v3  }
0xbf: {  	v2 =	vld.idx.msk [tilespmem:v62+s3+$0x0], $0xffff;
	_ =	sdelay $0x2  }
0xc0: {  	s12 =	sadd.s32 $0x4, s9;
	v3 =	vld.idx.msk [tilespmem:v62+s0+$0x0], $0xffff  }
0xc1: {  	v63 =	vadd.s32 s12, v1;
	_ =	sdelay $0x3  }
0xc2: {  	[tilespmem:v2+s7+$0x0] =	vst.idx.add.f32.msk $0xffff, v3  }
0xc3: {  	v2 =	vld.idx.msk [tilespmem:v63+s3+$0x0], $0xffff;
	_ =	sdelay $0x2  }
0xc4: {  	v3 =	vld.idx.msk [tilespmem:v63+s0+$0x0], $0xffff  }
.Ltmp3:
0xc5: {  	_ = 	snop;
	(pc) =	sbr.rel @p0 .LBB2_9-.Ltmp3, $2  }
0xc6: {  	_ =	sdelay $0x2  }
0xc7: {  	[tilespmem:v2+s7+$0x0] =	vst.idx.add.f32.msk $0xffff, v3  }
0xc8: {  	s9 =	smul.u32 $0xFA0, s2  }
0xc9: {  	s10 =	rddreg [dreg:$0xa]  }
0xca: {  	s9 =	sadd.s32 s9, s10  }
.Ltmp4:
0xcb: {  	s12 =	rddreg [dreg:$0x1];
	s9 =	sshrl.u32 s9, $0x3;
	(pc) =	sbr.rel .LBB2_4-.Ltmp4, $4  }
0xcc: {  	s10 =	sadd.s32 s12, s9  }
0xcd: {  	[tilespmem:s3], [sflag:$0x1] =	stream.linear.gather [hbm4b:s10+s4], $0x7D0, $0x38;
	[tilespmem:$0x1E140] =	vst v63  }
0xce: {  	s2 =	sadd.s32 $0x1, s2;
	s9 =	sadd.s32 s13, s9  }
0xcf: {  	[tilespmem:s0], [sflag:$0x2] =	stream.linear.gather [hbm4b:s9+s4], $0x7D0, $0x38;
	[tilespmem:$0x1E140] =	vst v63  }
.LBB2_9:
0xd0: {  	s13 =	simm.s32 $0x0;
	s12 =	simm.s32 $0x1F60  }
.LBB2_10:
0xd1: {  	s1 =	smul.u32 $0x640, s13;
	_ =	sdelay $0x1  }
0xd2: {  	s1 =	sshra.s32 s1, $0x2  }
0xd3: {  	s2 =	sadd.s32 $0x1F40, s1  }
0xd4: {  	[spmem:s11] =	stream.linear.scatter [tilespmem:s2], [sflag:$0x3], $0x190, $0x38;
	[tilespmem:$0x1E140] =	vst v63  }
0xd5: {  	s9 =	sadd.s32 $0x3840, s1  }
0xd6: {  	[spmem:s15] =	stream.linear.scatter [tilespmem:s9], [sflag:$0x3], $0x190, $0x38;
	[tilespmem:$0x1E140] =	vst v63  }
0xd7: {  	s10 =	sadd.s32 $0x5140, s1  }
0xd8: {  	[spmem:s16] =	stream.linear.scatter [tilespmem:s10], [sflag:$0x3], $0x190, $0x38;
	[tilespmem:$0x1E140] =	vst v63  }
0xd9: {  	s9 =	sadd.s32 $0x6A40, s1  }
0xda: {  	[spmem:s17] =	stream.linear.scatter [tilespmem:s9], [sflag:$0x3], $0x190, $0x38;
	[tilespmem:$0x1E140] =	vst v63  }
0xdb: {  	s10 =	sadd.s32 $0x8340, s1  }
0xdc: {  	[spmem:s18] =	stream.linear.scatter [tilespmem:s10], [sflag:$0x3], $0x190, $0x38;
	[tilespmem:$0x1E140] =	vst v63  }
0xdd: {  	s9 =	sadd.s32 $0x9C40, s1  }
0xde: {  	[spmem:s19] =	stream.linear.scatter [tilespmem:s9], [sflag:$0x3], $0x190, $0x38;
	[tilespmem:$0x1E140] =	vst v63  }
0xdf: {  	s10 =	sadd.s32 $0xB540, s1  }
0xe0: {  	[spmem:s20] =	stream.linear.scatter [tilespmem:s10], [sflag:$0x3], $0x190, $0x38;
	[tilespmem:$0x1E140] =	vst v63  }
0xe1: {  	s9 =	sadd.s32 $0xCE40, s1  }
0xe2: {  	[spmem:s21] =	stream.linear.scatter [tilespmem:s9], [sflag:$0x3], $0x190, $0x38;
	[tilespmem:$0x1E140] =	vst v63  }
0xe3: {  	s10 =	sadd.s32 $0xE740, s1  }
0xe4: {  	[spmem:s22] =	stream.linear.scatter [tilespmem:s10], [sflag:$0x3], $0x190, $0x38;
	[tilespmem:$0x1E140] =	vst v63  }
0xe5: {  	s9 =	sadd.s32 $0x10040, s1  }
0xe6: {  	[spmem:s23] =	stream.linear.scatter [tilespmem:s9], [sflag:$0x3], $0x190, $0x38;
	[tilespmem:$0x1E140] =	vst v63  }
0xe7: {  	s10 =	sadd.s32 $0x11940, s1  }
0xe8: {  	[spmem:s24] =	stream.linear.scatter [tilespmem:s10], [sflag:$0x3], $0x190, $0x38;
	[tilespmem:$0x1E140] =	vst v63  }
0xe9: {  	s9 =	sadd.s32 $0x13240, s1  }
0xea: {  	[spmem:s25] =	stream.linear.scatter [tilespmem:s9], [sflag:$0x3], $0x190, $0x38;
	[tilespmem:$0x1E140] =	vst v63  }
0xeb: {  	s10 =	sadd.s32 $0x14B40, s1  }
0xec: {  	[spmem:s26] =	stream.linear.scatter [tilespmem:s10], [sflag:$0x3], $0x190, $0x38;
	[tilespmem:$0x1E140] =	vst v63  }
0xed: {  	s9 =	sadd.s32 $0x16440, s1  }
0xee: {  	[spmem:s28] =	stream.linear.scatter [tilespmem:s9], [sflag:$0x3], $0x190, $0x38;
	[tilespmem:$0x1E140] =	vst v63  }
0xef: {  	s10 =	sadd.s32 $0x17D40, s1  }
0xf0: {  	[spmem:s29] =	stream.linear.scatter [tilespmem:s10], [sflag:$0x3], $0x190, $0x38;
	[tilespmem:$0x1E140] =	vst v63  }
0xf1: {  	s1 =	sadd.s32 $0x19640, s1  }
0xf2: {  	[spmem:s30] =	stream.linear.scatter [tilespmem:s1], [sflag:$0x3], $0x190, $0x38;
	[tilespmem:$0x1E140] =	vst v63  }
0xf3: {  	_ =	swait.ge [sflag:s8], $0x190  }
0xf4: {  	[sflag:s8] =	ssyncset.done $0x0  }
0xf5: {  	[sflag:s8] =	ssyncadd.s32 $0xFFFFFE70  }
0xf6: {  	_ =	swait.ge [sflag:s8], $0x190  }
0xf7: {  	[sflag:s8] =	ssyncset.done $0x0  }
0xf8: {  	[sflag:s8] =	ssyncadd.s32 $0xFFFFFE70  }
0xf9: {  	_ =	swait.ge [sflag:s8], $0x190  }
0xfa: {  	[sflag:s8] =	ssyncset.done $0x0  }
0xfb: {  	[sflag:s8] =	ssyncadd.s32 $0xFFFFFE70  }
0xfc: {  	_ =	swait.ge [sflag:s8], $0x190  }
0xfd: {  	[sflag:s8] =	ssyncset.done $0x0  }
0xfe: {  	[sflag:s8] =	ssyncadd.s32 $0xFFFFFE70  }
0xff: {  	_ =	swait.ge [sflag:s8], $0x190  }
0x100: {  	[sflag:s8] =	ssyncset.done $0x0  }
0x101: {  	[sflag:s8] =	ssyncadd.s32 $0xFFFFFE70  }
0x102: {  	_ =	swait.ge [sflag:s8], $0x190  }
0x103: {  	[sflag:s8] =	ssyncset.done $0x0  }
0x104: {  	[sflag:s8] =	ssyncadd.s32 $0xFFFFFE70  }
0x105: {  	_ =	swait.ge [sflag:s8], $0x190  }
0x106: {  	[sflag:s8] =	ssyncset.done $0x0  }
0x107: {  	[sflag:s8] =	ssyncadd.s32 $0xFFFFFE70  }
0x108: {  	_ =	swait.ge [sflag:s8], $0x190  }
0x109: {  	[sflag:s8] =	ssyncset.done $0x0  }
0x10a: {  	[sflag:s8] =	ssyncadd.s32 $0xFFFFFE70  }
0x10b: {  	_ =	swait.ge [sflag:s8], $0x190  }
0x10c: {  	[sflag:s8] =	ssyncset.done $0x0  }
0x10d: {  	[sflag:s8] =	ssyncadd.s32 $0xFFFFFE70  }
0x10e: {  	_ =	swait.ge [sflag:s8], $0x190  }
0x10f: {  	[sflag:s8] =	ssyncset.done $0x0  }
0x110: {  	[sflag:s8] =	ssyncadd.s32 $0xFFFFFE70  }
0x111: {  	_ =	swait.ge [sflag:s8], $0x190  }
0x112: {  	[sflag:s8] =	ssyncset.done $0x0  }
0x113: {  	[sflag:s8] =	ssyncadd.s32 $0xFFFFFE70  }
0x114: {  	_ =	swait.ge [sflag:s8], $0x190  }
0x115: {  	[sflag:s8] =	ssyncset.done $0x0  }
0x116: {  	[sflag:s8] =	ssyncadd.s32 $0xFFFFFE70  }
0x117: {  	_ =	swait.ge [sflag:s8], $0x190  }
0x118: {  	[sflag:s8] =	ssyncset.done $0x0  }
0x119: {  	[sflag:s8] =	ssyncadd.s32 $0xFFFFFE70  }
0x11a: {  	_ =	swait.ge [sflag:s8], $0x190  }
0x11b: {  	[sflag:s8] =	ssyncset.done $0x0  }
0x11c: {  	[sflag:s8] =	ssyncadd.s32 $0xFFFFFE70  }
0x11d: {  	_ =	swait.ge [sflag:s8], $0x190  }
0x11e: {  	[sflag:s8] =	ssyncset.done $0x0  }
0x11f: {  	[sflag:s8] =	ssyncadd.s32 $0xFFFFFE70  }
0x120: {  	_ =	swait.ge [sflag:s8], $0x190  }
0x121: {  	[sflag:s8] =	ssyncset.done $0x0  }
0x122: {  	[sflag:s8] =	ssyncadd.s32 $0xFFFFFE70  }
0x123: {  	[bflag:$0x0] =	sbarrier.arrive $0xFFFF  }
0x124: {  	s10 =	simm.s32 $0x1AF40;
	s9 =	rddreg [dreg:$0xb]  }
0x125: {  	[tilespmem:s10], [sflag:$0x4] =	stream.linear.gather [spmem:s9], $0x1900, $0x38;
	[tilespmem:$0x1E140] =	vst v63  }
0x126: {  	_ =	swait.ge [sflag:s14], $0x1900  }
0x127: {  	[sflag:s14] =	ssyncset.done $0x0  }
0x128: {  	s2 =	simm.s32 $0x1BBC0;
	[sflag:s14] =	ssyncadd.s32 $0xFFFFE700  }
0x129: {  	v2 =	vld [tilespmem:s2+$0xFFFFF510]  }
0x12a: {  	v3 =	vld [tilespmem:s2+$0xFFFFF380];
	_ =	sdelay $0x1  }
0x12b: {  	v4 =	vld [tilespmem:s2+$0xFFFFF6A0];
	_ =	sdelay $0x1  }
0x12c: {  	v5 =	vld [tilespmem:s2+$0xFFFFF830]  }
0x12d: {  	v2 =	vadd.f32 v2, v3  }
0x12e: {  	v3 =	vld [tilespmem:s2+$0xFFFFF9C0]  }
0x12f: {  	v2 =	vadd.f32 v4, v2  }
0x130: {  	v4 =	vld [tilespmem:s2+$0xFFFFFB50]  }
0x131: {  	v2 =	vadd.f32 v5, v2  }
0x132: {  	v5 =	vld [tilespmem:s2+$0xFFFFFCE0]  }
0x133: {  	v2 =	vadd.f32 v3, v2  }
0x134: {  	v3 =	vld [tilespmem:s2+$0xFFFFFE70]  }
0x135: {  	v2 =	vadd.f32 v4, v2  }
0x136: {  	v4 =	vld [tilespmem:s2+$0x0]  }
0x137: {  	v2 =	vadd.f32 v5, v2  }
0x138: {  	v5 =	vld [tilespmem:s2+$0x190]  }
0x139: {  	v2 =	vadd.f32 v3, v2  }
0x13a: {  	v3 =	vld [tilespmem:s2+$0x320]  }
0x13b: {  	v2 =	vadd.f32 v4, v2  }
0x13c: {  	v4 =	vld [tilespmem:s2+$0x4B0]  }
0x13d: {  	v2 =	vadd.f32 v5, v2  }
0x13e: {  	v5 =	vld [tilespmem:s2+$0x640]  }
0x13f: {  	v2 =	vadd.f32 v3, v2  }
0x140: {  	v3 =	vld [tilespmem:s2+$0x7D0]  }
0x141: {  	v2 =	vadd.f32 v4, v2  }
0x142: {  	v4 =	vld [tilespmem:s2+$0x960]  }
0x143: {  	v2 =	vadd.f32 v5, v2  }
0x144: {  	v5 =	vld [tilespmem:s2+$0xAF0]  }
0x145: {  	v2 =	vadd.f32 v3, v2;
	_ =	sdelay $0x1  }
0x146: {  	v2 =	vadd.f32 v4, v2;
	_ =	sdelay $0x1  }
0x147: {  	v2 =	vadd.f32 v5, v2;
	_ =	sdelay $0x1  }
0x148: {  	[tilespmem:s12+$0xFFFFFFE0] =	vst v2  }
0x149: {  	v2 =	vld [tilespmem:s2+$0xFFFFF390]  }
0x14a: {  	v3 =	vld [tilespmem:s2+$0xFFFFF520];
	_ =	sdelay $0x1  }
0x14b: {  	v4 =	vld [tilespmem:s2+$0xFFFFF6B0];
	_ =	sdelay $0x1  }
0x14c: {  	v5 =	vld [tilespmem:s2+$0xFFFFF840]  }
0x14d: {  	v2 =	vadd.f32 v3, v2  }
0x14e: {  	v3 =	vld [tilespmem:s2+$0xFFFFF9D0]  }
0x14f: {  	v2 =	vadd.f32 v4, v2  }
0x150: {  	v4 =	vld [tilespmem:s2+$0xFFFFFB60]  }
0x151: {  	v2 =	vadd.f32 v5, v2  }
0x152: {  	v5 =	vld [tilespmem:s2+$0xFFFFFCF0]  }
0x153: {  	v2 =	vadd.f32 v3, v2  }
0x154: {  	v3 =	vld [tilespmem:s2+$0xFFFFFE80]  }
0x155: {  	v2 =	vadd.f32 v4, v2  }
0x156: {  	v4 =	vld [tilespmem:s2+$0x10]  }
0x157: {  	v2 =	vadd.f32 v5, v2  }
0x158: {  	v5 =	vld [tilespmem:s2+$0x1A0]  }
0x159: {  	v2 =	vadd.f32 v3, v2  }
0x15a: {  	v3 =	vld [tilespmem:s2+$0x330]  }
0x15b: {  	v2 =	vadd.f32 v4, v2  }
0x15c: {  	v4 =	vld [tilespmem:s2+$0x4C0]  }
0x15d: {  	v2 =	vadd.f32 v5, v2  }
0x15e: {  	v5 =	vld [tilespmem:s2+$0x650]  }
0x15f: {  	v2 =	vadd.f32 v3, v2  }
0x160: {  	v3 =	vld [tilespmem:s2+$0x7E0]  }
0x161: {  	v2 =	vadd.f32 v4, v2  }
0x162: {  	v4 =	vld [tilespmem:s2+$0x970]  }
0x163: {  	v2 =	vadd.f32 v5, v2  }
0x164: {  	v5 =	vld [tilespmem:s2+$0xB00]  }
0x165: {  	v2 =	vadd.f32 v3, v2;
	_ =	sdelay $0x1  }
0x166: {  	v2 =	vadd.f32 v4, v2;
	_ =	sdelay $0x1  }
0x167: {  	v2 =	vadd.f32 v5, v2;
	_ =	sdelay $0x1  }
0x168: {  	[tilespmem:s12+$0xFFFFFFF0] =	vst v2  }
0x169: {  	v2 =	vld [tilespmem:s2+$0xFFFFF3A0]  }
0x16a: {  	v3 =	vld [tilespmem:s2+$0xFFFFF530];
	_ =	sdelay $0x1  }
0x16b: {  	v4 =	vld [tilespmem:s2+$0xFFFFF6C0];
	_ =	sdelay $0x1  }
0x16c: {  	v5 =	vld [tilespmem:s2+$0xFFFFF850]  }
0x16d: {  	v2 =	vadd.f32 v3, v2  }
0x16e: {  	v3 =	vld [tilespmem:s2+$0xFFFFF9E0]  }
0x16f: {  	v2 =	vadd.f32 v4, v2  }
0x170: {  	v4 =	vld [tilespmem:s2+$0xFFFFFB70]  }
0x171: {  	v2 =	vadd.f32 v5, v2  }
0x172: {  	v5 =	vld [tilespmem:s2+$0xFFFFFD00]  }
0x173: {  	v2 =	vadd.f32 v3, v2  }
0x174: {  	v3 =	vld [tilespmem:s2+$0xFFFFFE90]  }
0x175: {  	v2 =	vadd.f32 v4, v2  }
0x176: {  	v4 =	vld [tilespmem:s2+$0x20]  }
0x177: {  	v2 =	vadd.f32 v5, v2  }
0x178: {  	v5 =	vld [tilespmem:s2+$0x1B0]  }
0x179: {  	v2 =	vadd.f32 v3, v2  }
0x17a: {  	v3 =	vld [tilespmem:s2+$0x340]  }
0x17b: {  	v2 =	vadd.f32 v4, v2  }
0x17c: {  	v4 =	vld [tilespmem:s2+$0x4D0]  }
0x17d: {  	v2 =	vadd.f32 v5, v2  }
0x17e: {  	v5 =	vld [tilespmem:s2+$0x660]  }
0x17f: {  	v2 =	vadd.f32 v3, v2  }
0x180: {  	v3 =	vld [tilespmem:s2+$0x7F0]  }
0x181: {  	v2 =	vadd.f32 v4, v2  }
0x182: {  	v4 =	vld [tilespmem:s2+$0x980]  }
0x183: {  	v2 =	vadd.f32 v5, v2  }
0x184: {  	v5 =	vld [tilespmem:s2+$0xB10]  }
0x185: {  	v2 =	vadd.f32 v3, v2;
	_ =	sdelay $0x1  }
0x186: {  	v2 =	vadd.f32 v4, v2;
	_ =	sdelay $0x1  }
0x187: {  	v2 =	vadd.f32 v5, v2;
	_ =	sdelay $0x1  }
0x188: {  	[tilespmem:s12+$0x0] =	vst v2  }
0x189: {  	v2 =	vld [tilespmem:s2+$0xFFFFF3B0]  }
0x18a: {  	v3 =	vld [tilespmem:s2+$0xFFFFF540];
	_ =	sdelay $0x1  }
0x18b: {  	v4 =	vld [tilespmem:s2+$0xFFFFF6D0];
	_ =	sdelay $0x1  }
0x18c: {  	v5 =	vld [tilespmem:s2+$0xFFFFF860]  }
0x18d: {  	v2 =	vadd.f32 v3, v2  }
0x18e: {  	v3 =	vld [tilespmem:s2+$0xFFFFF9F0]  }
0x18f: {  	v2 =	vadd.f32 v4, v2  }
0x190: {  	v4 =	vld [tilespmem:s2+$0xFFFFFB80]  }
0x191: {  	v2 =	vadd.f32 v5, v2  }
0x192: {  	v5 =	vld [tilespmem:s2+$0xFFFFFD10]  }
0x193: {  	v2 =	vadd.f32 v3, v2  }
0x194: {  	v3 =	vld [tilespmem:s2+$0xFFFFFEA0]  }
0x195: {  	v2 =	vadd.f32 v4, v2  }
0x196: {  	v4 =	vld [tilespmem:s2+$0x30]  }
0x197: {  	v2 =	vadd.f32 v5, v2  }
0x198: {  	v5 =	vld [tilespmem:s2+$0x1C0]  }
0x199: {  	v2 =	vadd.f32 v3, v2  }
0x19a: {  	v3 =	vld [tilespmem:s2+$0x350]  }
0x19b: {  	v2 =	vadd.f32 v4, v2  }
0x19c: {  	v4 =	vld [tilespmem:s2+$0x4E0]  }
0x19d: {  	v2 =	vadd.f32 v5, v2  }
0x19e: {  	v5 =	vld [tilespmem:s2+$0x670]  }
0x19f: {  	v2 =	vadd.f32 v3, v2  }
0x1a0: {  	v3 =	vld [tilespmem:s2+$0x800]  }
0x1a1: {  	v2 =	vadd.f32 v4, v2  }
0x1a2: {  	v4 =	vld [tilespmem:s2+$0x990]  }
0x1a3: {  	v2 =	vadd.f32 v5, v2  }
0x1a4: {  	v5 =	vld [tilespmem:s2+$0xB20]  }
0x1a5: {  	v2 =	vadd.f32 v3, v2;
	_ =	sdelay $0x1  }
0x1a6: {  	v2 =	vadd.f32 v4, v2;
	_ =	sdelay $0x1  }
0x1a7: {  	v2 =	vadd.f32 v5, v2;
	_ =	sdelay $0x1  }
0x1a8: {  	[tilespmem:s12+$0x10] =	vst v2  }
0x1a9: {  	v2 =	vld [tilespmem:s2+$0xFFFFF3C0]  }
0x1aa: {  	v3 =	vld [tilespmem:s2+$0xFFFFF550];
	_ =	sdelay $0x1  }
0x1ab: {  	v4 =	vld [tilespmem:s2+$0xFFFFF6E0];
	_ =	sdelay $0x1  }
0x1ac: {  	v5 =	vld [tilespmem:s2+$0xFFFFF870]  }
0x1ad: {  	v2 =	vadd.f32 v3, v2  }
0x1ae: {  	v3 =	vld [tilespmem:s2+$0xFFFFFA00]  }
0x1af: {  	v2 =	vadd.f32 v4, v2  }
0x1b0: {  	v4 =	vld [tilespmem:s2+$0xFFFFFB90]  }
0x1b1: {  	v2 =	vadd.f32 v5, v2  }
0x1b2: {  	v5 =	vld [tilespmem:s2+$0xFFFFFD20]  }
0x1b3: {  	v2 =	vadd.f32 v3, v2  }
0x1b4: {  	v3 =	vld [tilespmem:s2+$0xFFFFFEB0]  }
0x1b5: {  	v2 =	vadd.f32 v4, v2  }
0x1b6: {  	v4 =	vld [tilespmem:s2+$0x40]  }
0x1b7: {  	v2 =	vadd.f32 v5, v2  }
0x1b8: {  	v5 =	vld [tilespmem:s2+$0x1D0]  }
0x1b9: {  	v2 =	vadd.f32 v3, v2  }
0x1ba: {  	v3 =	vld [tilespmem:s2+$0x360]  }
0x1bb: {  	v2 =	vadd.f32 v4, v2  }
0x1bc: {  	v4 =	vld [tilespmem:s2+$0x4F0]  }
0x1bd: {  	v2 =	vadd.f32 v5, v2  }
0x1be: {  	v5 =	vld [tilespmem:s2+$0x680]  }
0x1bf: {  	v2 =	vadd.f32 v3, v2;
	_ =	sdelay $0x1  }
0x1c0: {  	v6 =	vld [tilespmem:s2+$0x810];
	v2 =	vadd.f32 v4, v2;
	_ =	sdelay $0x1  }
0x1c1: {  	v4 =	vadd.f32 v5, v2;
	v2 =	vld [tilespmem:s2+$0x9A0];
	_ =	sdelay $0x1  }
0x1c2: {  	v3 =	vld [tilespmem:s2+$0xB30]  }
0x1c3: {  	s1 =	smov.u32 s12;
	s10 =	simm.s32 $0x0;
	s9 =	smov.u32 s12;
	v4 =	vadd.f32 v6, v4  }
.LBB2_11:
0x1c4: {  	s10 =	sadd.s32 $0x5, s10;
	s2 =	sadd.s32 $0x50, s2;
	s9 =	sadd.s32 $0x50, s9  }
0x1c5: {  	p0 =	slt.u32 s10, $0x14;
	v2 =	vadd.f32 v2, v4;
	_ =	sdelay $0x1  }
0x1c6: {  	v2 =	vadd.f32 v3, v2;
	_ =	sdelay $0x1  }
0x1c7: {  	[tilespmem:s1+$0x20] =	vst v2;
	s1 =	smov.u32 s9  }
0x1c8: {  	v2 =	vld [tilespmem:s2+$0xFFFFF510]  }
0x1c9: {  	v3 =	vld [tilespmem:s2+$0xFFFFF380];
	_ =	sdelay $0x1  }
0x1ca: {  	v4 =	vld [tilespmem:s2+$0xFFFFF6A0];
	_ =	sdelay $0x1  }
0x1cb: {  	v5 =	vld [tilespmem:s2+$0xFFFFF830]  }
0x1cc: {  	v2 =	vadd.f32 v2, v3  }
0x1cd: {  	v3 =	vld [tilespmem:s2+$0xFFFFF9C0]  }
0x1ce: {  	v2 =	vadd.f32 v4, v2  }
0x1cf: {  	v4 =	vld [tilespmem:s2+$0xFFFFFB50]  }
0x1d0: {  	v2 =	vadd.f32 v5, v2  }
0x1d1: {  	v5 =	vld [tilespmem:s2+$0xFFFFFCE0]  }
0x1d2: {  	v2 =	vadd.f32 v3, v2  }
0x1d3: {  	v3 =	vld [tilespmem:s2+$0xFFFFFE70]  }
0x1d4: {  	v2 =	vadd.f32 v4, v2  }
0x1d5: {  	v4 =	vld [tilespmem:s2+$0x0]  }
0x1d6: {  	v2 =	vadd.f32 v5, v2  }
0x1d7: {  	v5 =	vld [tilespmem:s2+$0x190]  }
0x1d8: {  	v2 =	vadd.f32 v3, v2  }
0x1d9: {  	v3 =	vld [tilespmem:s2+$0x320]  }
0x1da: {  	v2 =	vadd.f32 v4, v2  }
0x1db: {  	v4 =	vld [tilespmem:s2+$0x4B0]  }
0x1dc: {  	v2 =	vadd.f32 v5, v2  }
0x1dd: {  	v5 =	vld [tilespmem:s2+$0x640]  }
0x1de: {  	v2 =	vadd.f32 v3, v2  }
0x1df: {  	v3 =	vld [tilespmem:s2+$0x7D0]  }
0x1e0: {  	v2 =	vadd.f32 v4, v2  }
0x1e1: {  	v4 =	vld [tilespmem:s2+$0x960]  }
0x1e2: {  	v2 =	vadd.f32 v5, v2  }
0x1e3: {  	v5 =	vld [tilespmem:s2+$0xAF0]  }
0x1e4: {  	v2 =	vadd.f32 v3, v2;
	_ =	sdelay $0x1  }
0x1e5: {  	v2 =	vadd.f32 v4, v2;
	_ =	sdelay $0x1  }
0x1e6: {  	v2 =	vadd.f32 v5, v2;
	_ =	sdelay $0x1  }
0x1e7: {  	[tilespmem:s9+$0xFFFFFFE0] =	vst v2  }
0x1e8: {  	v2 =	vld [tilespmem:s2+$0xFFFFF390]  }
0x1e9: {  	v3 =	vld [tilespmem:s2+$0xFFFFF520];
	_ =	sdelay $0x1  }
0x1ea: {  	v4 =	vld [tilespmem:s2+$0xFFFFF6B0];
	_ =	sdelay $0x1  }
0x1eb: {  	v5 =	vld [tilespmem:s2+$0xFFFFF840]  }
0x1ec: {  	v2 =	vadd.f32 v3, v2  }
0x1ed: {  	v3 =	vld [tilespmem:s2+$0xFFFFF9D0]  }
0x1ee: {  	v2 =	vadd.f32 v4, v2  }
0x1ef: {  	v4 =	vld [tilespmem:s2+$0xFFFFFB60]  }
0x1f0: {  	v2 =	vadd.f32 v5, v2  }
0x1f1: {  	v5 =	vld [tilespmem:s2+$0xFFFFFCF0]  }
0x1f2: {  	v2 =	vadd.f32 v3, v2  }
0x1f3: {  	v3 =	vld [tilespmem:s2+$0xFFFFFE80]  }
0x1f4: {  	v2 =	vadd.f32 v4, v2  }
0x1f5: {  	v4 =	vld [tilespmem:s2+$0x10]  }
0x1f6: {  	v2 =	vadd.f32 v5, v2  }
0x1f7: {  	v5 =	vld [tilespmem:s2+$0x1A0]  }
0x1f8: {  	v2 =	vadd.f32 v3, v2  }
0x1f9: {  	v3 =	vld [tilespmem:s2+$0x330]  }
0x1fa: {  	v2 =	vadd.f32 v4, v2  }
0x1fb: {  	v4 =	vld [tilespmem:s2+$0x4C0]  }
0x1fc: {  	v2 =	vadd.f32 v5, v2  }
0x1fd: {  	v5 =	vld [tilespmem:s2+$0x650]  }
0x1fe: {  	v2 =	vadd.f32 v3, v2  }
0x1ff: {  	v3 =	vld [tilespmem:s2+$0x7E0]  }
0x200: {  	v2 =	vadd.f32 v4, v2  }
0x201: {  	v4 =	vld [tilespmem:s2+$0x970]  }
0x202: {  	v2 =	vadd.f32 v5, v2  }
0x203: {  	v5 =	vld [tilespmem:s2+$0xB00]  }
0x204: {  	v2 =	vadd.f32 v3, v2;
	_ =	sdelay $0x1  }
0x205: {  	v2 =	vadd.f32 v4, v2;
	_ =	sdelay $0x1  }
0x206: {  	v2 =	vadd.f32 v5, v2;
	_ =	sdelay $0x1  }
0x207: {  	[tilespmem:s9+$0xFFFFFFF0] =	vst v2  }
0x208: {  	v2 =	vld [tilespmem:s2+$0xFFFFF3A0]  }
0x209: {  	v3 =	vld [tilespmem:s2+$0xFFFFF530];
	_ =	sdelay $0x1  }
0x20a: {  	v4 =	vld [tilespmem:s2+$0xFFFFF6C0];
	_ =	sdelay $0x1  }
0x20b: {  	v5 =	vld [tilespmem:s2+$0xFFFFF850]  }
0x20c: {  	v2 =	vadd.f32 v3, v2  }
0x20d: {  	v3 =	vld [tilespmem:s2+$0xFFFFF9E0]  }
0x20e: {  	v2 =	vadd.f32 v4, v2  }
0x20f: {  	v4 =	vld [tilespmem:s2+$0xFFFFFB70]  }
0x210: {  	v2 =	vadd.f32 v5, v2  }
0x211: {  	v5 =	vld [tilespmem:s2+$0xFFFFFD00]  }
0x212: {  	v2 =	vadd.f32 v3, v2  }
0x213: {  	v3 =	vld [tilespmem:s2+$0xFFFFFE90]  }
0x214: {  	v2 =	vadd.f32 v4, v2  }
0x215: {  	v4 =	vld [tilespmem:s2+$0x20]  }
0x216: {  	v2 =	vadd.f32 v5, v2  }
0x217: {  	v5 =	vld [tilespmem:s2+$0x1B0]  }
0x218: {  	v2 =	vadd.f32 v3, v2  }
0x219: {  	v3 =	vld [tilespmem:s2+$0x340]  }
0x21a: {  	v2 =	vadd.f32 v4, v2  }
0x21b: {  	v4 =	vld [tilespmem:s2+$0x4D0]  }
0x21c: {  	v2 =	vadd.f32 v5, v2  }
0x21d: {  	v5 =	vld [tilespmem:s2+$0x660]  }
0x21e: {  	v2 =	vadd.f32 v3, v2  }
0x21f: {  	v3 =	vld [tilespmem:s2+$0x7F0]  }
0x220: {  	v2 =	vadd.f32 v4, v2  }
0x221: {  	v4 =	vld [tilespmem:s2+$0x980]  }
0x222: {  	v2 =	vadd.f32 v5, v2  }
0x223: {  	v5 =	vld [tilespmem:s2+$0xB10]  }
0x224: {  	v2 =	vadd.f32 v3, v2;
	_ =	sdelay $0x1  }
0x225: {  	v2 =	vadd.f32 v4, v2;
	_ =	sdelay $0x1  }
0x226: {  	v2 =	vadd.f32 v5, v2;
	_ =	sdelay $0x1  }
0x227: {  	[tilespmem:s9+$0x0] =	vst v2  }
0x228: {  	v2 =	vld [tilespmem:s2+$0xFFFFF3B0]  }
0x229: {  	v3 =	vld [tilespmem:s2+$0xFFFFF540];
	_ =	sdelay $0x1  }
0x22a: {  	v4 =	vld [tilespmem:s2+$0xFFFFF6D0];
	_ =	sdelay $0x1  }
0x22b: {  	v5 =	vld [tilespmem:s2+$0xFFFFF860]  }
0x22c: {  	v2 =	vadd.f32 v3, v2  }
0x22d: {  	v3 =	vld [tilespmem:s2+$0xFFFFF9F0]  }
0x22e: {  	v2 =	vadd.f32 v4, v2  }
0x22f: {  	v4 =	vld [tilespmem:s2+$0xFFFFFB80]  }
0x230: {  	v2 =	vadd.f32 v5, v2  }
0x231: {  	v5 =	vld [tilespmem:s2+$0xFFFFFD10]  }
0x232: {  	v2 =	vadd.f32 v3, v2  }
0x233: {  	v3 =	vld [tilespmem:s2+$0xFFFFFEA0]  }
0x234: {  	v2 =	vadd.f32 v4, v2  }
0x235: {  	v4 =	vld [tilespmem:s2+$0x30]  }
0x236: {  	v2 =	vadd.f32 v5, v2  }
0x237: {  	v5 =	vld [tilespmem:s2+$0x1C0]  }
0x238: {  	v2 =	vadd.f32 v3, v2  }
0x239: {  	v3 =	vld [tilespmem:s2+$0x350]  }
0x23a: {  	v2 =	vadd.f32 v4, v2  }
0x23b: {  	v4 =	vld [tilespmem:s2+$0x4E0]  }
0x23c: {  	v2 =	vadd.f32 v5, v2  }
0x23d: {  	v5 =	vld [tilespmem:s2+$0x670]  }
0x23e: {  	v2 =	vadd.f32 v3, v2  }
0x23f: {  	v3 =	vld [tilespmem:s2+$0x800]  }
0x240: {  	v2 =	vadd.f32 v4, v2  }
0x241: {  	v4 =	vld [tilespmem:s2+$0x990]  }
0x242: {  	v2 =	vadd.f32 v5, v2  }
0x243: {  	v5 =	vld [tilespmem:s2+$0xB20]  }
0x244: {  	v2 =	vadd.f32 v3, v2;
	_ =	sdelay $0x1  }
0x245: {  	v2 =	vadd.f32 v4, v2;
	_ =	sdelay $0x1  }
0x246: {  	v2 =	vadd.f32 v5, v2;
	_ =	sdelay $0x1  }
0x247: {  	[tilespmem:s9+$0x10] =	vst v2  }
0x248: {  	v2 =	vld [tilespmem:s2+$0xFFFFF3C0]  }
0x249: {  	v3 =	vld [tilespmem:s2+$0xFFFFF550]  }
0x24a: {  	v4 =	vld [tilespmem:s2+$0xFFFFF6E0]  }
0x24b: {  	v5 =	vld [tilespmem:s2+$0xFFFFF870]  }
0x24c: {  	v6 =	vld [tilespmem:s2+$0xFFFFFA00]  }
0x24d: {  	v7 =	vld [tilespmem:s2+$0xFFFFFB90]  }
0x24e: {  	v2 =	vadd.f32 v3, v2;
	v8 =	vld [tilespmem:s2+$0xFFFFFD20]  }
0x24f: {  	v9 =	vld [tilespmem:s2+$0xFFFFFEB0]  }
0x250: {  	v2 =	vadd.f32 v4, v2;
	v4 =	vld [tilespmem:s2+$0x40]  }
0x251: {  	v10 =	vld [tilespmem:s2+$0x1D0]  }
0x252: {  	v2 =	vadd.f32 v5, v2;
	v5 =	vld [tilespmem:s2+$0x360]  }
0x253: {  	v11 =	vld [tilespmem:s2+$0x4F0]  }
0x254: {  	v2 =	vadd.f32 v6, v2;
	v6 =	vld [tilespmem:s2+$0x680]  }
0x255: {  	v12 =	vld [tilespmem:s2+$0x810]  }
0x256: {  	v7 =	vadd.f32 v7, v2;
	v2 =	vld [tilespmem:s2+$0x9A0]  }
0x257: {  	v3 =	vld [tilespmem:s2+$0xB30]  }
0x258: {  	v7 =	vadd.f32 v8, v7;
	_ =	sdelay $0x1  }
0x259: {  	v7 =	vadd.f32 v9, v7;
	_ =	sdelay $0x1  }
0x25a: {  	v4 =	vadd.f32 v4, v7;
	_ =	sdelay $0x1  }
0x25b: {  	v4 =	vadd.f32 v10, v4;
	_ =	sdelay $0x1  }
0x25c: {  	v4 =	vadd.f32 v5, v4;
	_ =	sdelay $0x1  }
.Ltmp5:
0x25d: {  	v4 =	vadd.f32 v11, v4;
	(pc) =	sbr.rel @p0 .LBB2_11-.Ltmp5, $3  }
0x25e: {  	_ = 	snop  }
0x25f: {  	v4 =	vadd.f32 v6, v4;
	_ =	sdelay $0x1  }
0x260: {  	v4 =	vadd.f32 v12, v4  }
0x261: {  	_ = 	snop  }
0x262: {  	s13 =	sadd.s32 $0x1, s13;
	v2 =	vadd.f32 v2, v4  }
0x263: {  	p0 =	sne.s32 s13, $0x10  }
.Ltmp6:
0x264: {  	v2 =	vadd.f32 v3, v2;
	(pc) =	sbr.rel @p0 .LBB2_10-.Ltmp6, $4  }
0x265: {  	_ = 	snop  }
0x266: {  	[tilespmem:s1+$0x20] =	vst v2  }
0x267: {  	[bflag:$0x0] =	sbarrier.arrive $0xFFFF  }
0x268: {  	s12 =	sadd.s32 $0x190, s12  }
0x269: {  	s1 =	rddreg [dreg:$0xc]  }
0x26a: {  	[hbm4b:s1+s4] =	stream.linear.scatter [tilespmem:s7], [sflag:$0x4], $0x1900, $0x38;
	[tilespmem:$0x1E140] =	vst v63  }
0x26b: {  	_ =	swait.ge [sflag:s14], $0x1900  }
0x26c: {  	s2 =	rddreg [dreg:$0xe]  }
0x26d: {  	s13 =	rddreg [dreg:$0xd];
	s2 =	sadd.s32 $0x1, s2  }
0x26e: {  	p0 =	sne.s32 s2, s13  }
.Ltmp7:
0x26f: {  	_ = 	snop;
	(pc) =	sbr.rel @p0 .LBB2_1-.Ltmp7, $4  }
0x270: {  	_ = 	snop  }
0x271: {  	[sflag:s14] =	ssyncset.done $0x0  }
0x272: {  	[sflag:s14] =	ssyncadd.s32 $0xFFFFE700  }
0x273: {  	s13 =	rddreg [dreg:$0x0]  }
0x274: {  	_ =	sfence.sel $0x180000  }
0x275: {  	[bflag:$0x0] =	sbarrier.arrive $0xFFFF  }
0x276: {  	_ =	strace $0x90000047  }
0x277: {  	s0 =	stileid.u32;
	[bflag:$0x2] =	sbarrier.arrive $0xFFFF  }
0x278: {  	p0 =	sne.s32 s0, $0x0;
	s0 =	rddreg [dreg:$0x4]  }
0x279: {  	s0 =	sadd.s32 @!p0 $0x100000, s0  }
0x27a: {  	[sflag:s0] =	ssyncadd.tile.s32 @!p0 $0x1;
	_ =	shalt  }
.Lfunc_end2:
_tile_overlayer_lowered:
.L_overlay_start_2:
0x27b: {  	(tag) =	ssettag $0x2  }
0x27c: {  	s0 =	rddreg [dreg:$0x0];
	s2 =	stileid.u32  }
0x27d: {  	s1 =	rddreg [dreg:$0x1];
	p0 =	sne.s32 s2, $0x0  }
0x27e: {  	s3 =	rddreg [dreg:$0x2];
	[bflag:$0x3] =	sbarrier.arrive $0xFFFF;
	s2 =	simm.s32 @!p0 $0x1C04  }
0x27f: {  	[timem:s3], [sflag:s2] =	dma.local @!p0 [hbm:s0], s1  }
0x280: {  	s0 =	simm.s32 @!p0 $0x4  }
0x281: {  	_ =	swait.ge @!p0 [sflag:s0], s1  }
0x282: {  	s1 =	ssub.s32 @!p0 $0x0, s1;
	[sflag:s0] =	ssyncset.done @!p0 $0x0  }
0x283: {  	[sflag:s0] =	ssyncadd.s32 @!p0 s1  }
0x284: {  	[bflag:$0x3] =	sbarrier.arrive $0xFFFF  }
0x285: {  	_ =	shalt  }

</sc_bundles>
